<compile_context>
chip_gen: v7x
topology: tpu7x:2x2x1
jax: 0.10.2.dev20260603
libtpu: 0.0.44.dev20260713+nightly
codegen_flags: <defaults>
</compile_context>

<pallas_src>
import functools

import jax
import jax.numpy as jnp
from jax import lax
from jax.experimental import pallas as pl
from jax.experimental.pallas import tpu as pltpu
from jax.experimental.pallas import tpu_sc as plsc

B, L, K = 16, 512, 64
START_IDX, END_IDX, PAD_IDX = 61, 62, 63

NC, NS, LANES = 2, 16, 16
NW = NC * NS
HALF = L // 2


def _scan_body(scores_t_ref, wsl_col_ref, transition_ref, out_u_ref):
    trans = transition_ref[:, :]
    max_t = jnp.max(trans)
    exp_ts = jnp.exp(trans - max_t)
    wsl_col = wsl_col_ref[:, :]

    a0_log = trans[START_IDX:START_IDX + 1, :] + scores_t_ref[0]
    m0 = jnp.max(a0_log, axis=1, keepdims=True)
    a = jnp.exp(a0_log - m0)
    off = m0
    m_prev = jnp.max(a, axis=1, keepdims=True)

    def one_step(t, state):
        a, m_prev, off, last_a, last_off = state
        s = jnp.dot(a, exp_ts, preferred_element_type=jnp.float32)
        g = jnp.exp(scores_t_ref[t]) * (1.0 / m_prev)
        a_new = s * g
        off_new = off + (jnp.log(m_prev) + max_t)
        is_last = (wsl_col - 1) == t
        last_a = jnp.where(is_last, a_new, last_a)
        last_off = jnp.where(is_last, off_new, last_off)
        m_new = jnp.max(a_new, axis=1, keepdims=True)
        return a_new, m_new, off_new, last_a, last_off

    state = (a, m_prev, off, a, off)
    for t in range(1, 16):
        state = one_step(t, state)

    def body16(i, state):
        for j in range(16):
            state = one_step(16 * i + j, state)
        return state

    _, _, _, last_a, last_off = jax.lax.fori_loop(1, L // 16, body16, state)

    v = jnp.dot(last_a, exp_ts, preferred_element_type=jnp.float32)
    oh_end = (jax.lax.broadcasted_iota(jnp.int32, (B, K), 1) == END_IDX)
    picked = jnp.sum(jnp.where(oh_end, v, 0.0), axis=1, keepdims=True)
    ub = jnp.log(picked) + last_off + max_t
    out_u_ref[:, :] = jnp.sum(ub, axis=0, keepdims=True)


def _labeled_sc(lstm_flat, tags, prev, wsl, trans_flat,
                out_hbm, lstm_v, tags_v, prev_v, wsl_v, trans_v, acc_v):
    wid = lax.axis_index("s") * NC + lax.axis_index("c")
    b = wid // 2
    h = wid % 2

    pltpu.sync_copy(lstm_flat.at[b, pl.ds(h * HALF * K, HALF * K)], lstm_v)
    pltpu.sync_copy(tags.at[b, pl.ds(h * HALF, HALF)], tags_v)
    pltpu.sync_copy(prev.at[b, pl.ds(h * HALF, HALF)], prev_v)
    pltpu.sync_copy(wsl, wsl_v)
    pltpu.sync_copy(trans_flat, trans_v)

    bvec = jnp.full((LANES,), b, jnp.int32)
    len_vec = plsc.load_gather(wsl_v, [bvec])
    iota16 = lax.iota(jnp.int32, LANES)

    def round_g(g, acc):
        t_loc = iota16 + g * LANES
        tag = tags_v[pl.ds(g * LANES, LANES)]
        prv = prev_v[pl.ds(g * LANES, LANES)]
        tv = plsc.load_gather(trans_v, [prv * K + tag])
        ev = plsc.load_gather(lstm_v, [t_loc * K + tag])
        t_glob = t_loc + h * HALF
        maskf = jnp.where(t_glob < len_vec, 1.0, 0.0)
        return acc + (tv + ev) * maskf

    acc = lax.fori_loop(0, HALF // LANES, round_g,
                        jnp.zeros((LANES,), jnp.float32))

    lend = len_vec - 1
    ll = jnp.minimum(jnp.maximum(lend - h * HALF, 0), HALF - 1)
    last_tag = plsc.load_gather(tags_v, [ll])
    end_v = plsc.load_gather(trans_v, [last_tag * K + END_IDX])
    in_half = (lend >= h * HALF) & (lend < (h + 1) * HALF) & (iota16 == 0)
    acc = acc + jnp.where(in_half, end_v, 0.0)

    acc_v[...] = acc
    pltpu.sync_copy(acc_v, out_hbm.at[wid])


@jax.jit
def kernel(lstm_scores, word_seq_lens, tags, mask, transition):
    scores_t = jnp.transpose(lstm_scores, (1, 0, 2))
    wsl_col = word_seq_lens.reshape(B, 1)

    prev = jnp.concatenate(
        [jnp.full((B, 1), START_IDX, dtype=tags.dtype), tags[:, :-1]], axis=1)
    lstm_flat = lstm_scores.reshape(B, L * K)
    trans_flat = transition.reshape(K * K)

    sc_kernel = functools.partial(
        pl.kernel,
        out_type=jax.ShapeDtypeStruct((NW, LANES), jnp.float32),
        mesh=plsc.VectorSubcoreMesh(core_axis_name="c", subcore_axis_name="s"),
        compiler_params=pltpu.CompilerParams(needs_layout_passes=False),
        scratch_types=[
            pltpu.VMEM((HALF * K,), jnp.float32),
            pltpu.VMEM((HALF,), jnp.int32),
            pltpu.VMEM((HALF,), jnp.int32),
            pltpu.VMEM((B,), jnp.int32),
            pltpu.VMEM((K * K,), jnp.float32),
            pltpu.VMEM((LANES,), jnp.float32),
        ],
    )(_labeled_sc)
    partials = sc_kernel(lstm_flat, tags, prev, word_seq_lens, trans_flat)

    out_u = pl.pallas_call(
        _scan_body,
        out_shape=jax.ShapeDtypeStruct((1, 1), jnp.float32),
    )(scores_t, wsl_col, transition)

    labeled = jnp.sum(partials)
    return (out_u.reshape(()), labeled)

# --- scband reference (transcript-rebuilt; emitter-appended) ---
"""Pipeline reference for scband-linear-crf-21062519620337 (READ-ONLY COPY).

The authoritative reference and input builder live on the scoring server;
editing this copy changes nothing except your own understanding.
"""

import jax, jax.numpy as jnp
import numpy as np

B, L, K = 16, 512, 64
START_IDX, END_IDX, PAD_IDX = 61, 62, 63


def setup_inputs(seed: int = 0) -> dict:
    key = jax.random.key(seed)
    k1, k2, k3, k4 = jax.random.split(key, 4)
    lstm_scores = jax.random.normal(k1, (B, L, K), dtype=jnp.float32)
    word_seq_lens = jax.random.randint(k2, (B,), L // 2, L + 1, dtype=jnp.int32)
    tags = jax.random.randint(k3, (B, L), 0, 61, dtype=jnp.int32)
    mask = jnp.arange(L, dtype=jnp.int32)[None, :] < word_seq_lens[:, None]
    transition = jax.random.normal(k4, (K, K), dtype=jnp.float32)
    transition = transition.at[:, START_IDX].set(-10000.0)
    transition = transition.at[END_IDX, :].set(-10000.0)
    transition = transition.at[:, PAD_IDX].set(-10000.0)
    transition = transition.at[PAD_IDX, :].set(-10000.0)
    return {
        "lstm_scores": lstm_scores,
        "word_seq_lens": word_seq_lens,
        "tags": tags,
        "mask": mask,
        "transition": transition,
    }


def _crf_nll_pair(lstm_scores, transition, word_seq_lens, tags, mask):
    b, l, k = lstm_scores.shape
    # calculate_all_scores: [b, l, from_label, to_label]
    all_scores = transition[None, None, :, :] + lstm_scores[:, :, None, :]

    # ---- forward_unlabeled (log partition) ----
    alpha0 = all_scores[:, 0, START_IDX, :]  # [b, k]

    def step(alpha_prev, scores_t):
        # scores_t: [b, k, k]; log_sum_exp over previous label axis
        alpha_t = jax.nn.logsumexp(alpha_prev[:, :, None] + scores_t, axis=1)
        return alpha_t, alpha_t

    scores_rest = jnp.swapaxes(all_scores[:, 1:, :, :], 0, 1)  # [l-1, b, k, k]
    _, alphas_rest = jax.lax.scan(step, alpha0, scores_rest)
    alpha = jnp.concatenate([alpha0[None], alphas_rest], axis=0)  # [l, b, k]
    alpha = jnp.swapaxes(alpha, 0, 1)  # [b, l, k]

    gather_idx = (word_seq_lens - 1)[:, None, None]
    gather_idx = jnp.broadcast_to(gather_idx, (b, 1, k))
    last_alpha = jnp.take_along_axis(alpha, gather_idx, axis=1)[:, 0, :]  # [b, k]
    last_alpha = last_alpha + transition[:, END_IDX][None, :]
    unlabeled = jnp.sum(jax.nn.logsumexp(last_alpha, axis=1))

    # ---- forward_labeled (gold path score) ----
    prev_tags = jnp.concatenate(
        [jnp.full((b, 1), START_IDX, dtype=tags.dtype), tags[:, :-1]], axis=1
    )
    trans_scores = transition[prev_tags, tags]  # [b, l]
    emit_scores = jnp.take_along_axis(lstm_scores, tags[:, :, None], axis=2)[:, :, 0]
    maskf = mask.astype(lstm_scores.dtype)
    seq_score = jnp.sum((trans_scores + emit_scores) * maskf, axis=1)  # [b]
    last_tag = jnp.take_along_axis(tags, (word_seq_lens - 1)[:, None], axis=1)[:, 0]
    end_score = transition[last_tag, END_IDX]
    labeled = jnp.sum(seq_score + end_score)

    return unlabeled, labeled


def reference(lstm_scores, word_seq_lens, tags, mask, transition):
    unlabeled, labeled = _crf_nll_pair(lstm_scores, transition, word_seq_lens, tags, mask)
    return (unlabeled, labeled)

if __name__ == "__main__":
    import jax
    _d = setup_inputs()
    print(jax.jit(kernel)(*tuple(_d.values())))

</pallas_src>

<mosaic_0001>
#map = affine_map<(d0, d1) -> (0, 0)>
#map1 = affine_map<(d0, d1) -> (0)>
module attributes {stable_mosaic.version = 14 : i64} {
  func.func @_labeled_sc(%arg0: i32, %arg1: i32, %arg2: memref<16x32768xf32, #tpu.memory_space<hbm>>, %arg3: memref<16x512xi32, #tpu.memory_space<hbm>>, %arg4: memref<16x512xi32, #tpu.memory_space<hbm>>, %arg5: memref<16xi32, #tpu.memory_space<hbm>>, %arg6: memref<4096xf32, #tpu.memory_space<hbm>>, %arg7: memref<32x16xf32, #tpu.memory_space<hbm>>, %arg8: memref<16384xf32, #tpu.memory_space<vmem>>, %arg9: memref<256xi32, #tpu.memory_space<vmem>>, %arg10: memref<256xi32, #tpu.memory_space<vmem>>, %arg11: memref<16xi32, #tpu.memory_space<vmem>>, %arg12: memref<4096xf32, #tpu.memory_space<vmem>>, %arg13: memref<16xf32, #tpu.memory_space<vmem>>) attributes {dimension_semantics = [#tpu.dimension_semantics<core_parallel>, #tpu.dimension_semantics<subcore_parallel>], iteration_bounds = array<i64: 2, 16>, scalar_prefetch = 0 : i64, scratch_operands = 6 : i64, tpu.core_type = #tpu.core_type<sc_vector_subcore>, window_params = [{transform_indices = #map}, {transform_indices = #map}, {transform_indices = #map}, {transform_indices = #map1}, {transform_indices = #map1}, {transform_indices = #map}]} {
    %mul3A = arith.constant 2 : i32
    %mul3A_0 = arith.muli %arg1, %mul3A : i32
    %add3A = arith.addi %mul3A_0, %arg0 : i32
    %jit3A = arith.constant 2 : i32
    %div3A = arith.divsi %add3A, %jit3A : i32
    %sign3A = arith.constant 0 : i32
    %sign3A_1 = arith.cmpi sgt, %add3A, %sign3A : i32
    %sign3A_2 = arith.extui %sign3A_1 : i1 to i32
    %sign3A_3 = arith.constant 0 : i32
    %sign3A_4 = arith.cmpi slt, %add3A, %sign3A_3 : i32
    %sign3A_5 = arith.extui %sign3A_4 : i1 to i32
    %sign3A_6 = arith.subi %sign3A_2, %sign3A_5 : i32
    %sign3A_7 = arith.constant 0 : i32
    %sign3A_8 = arith.cmpi sgt, %jit3A, %sign3A_7 : i32
    %sign3A_9 = arith.extui %sign3A_8 : i1 to i32
    %sign3A_10 = arith.constant 0 : i32
    %sign3A_11 = arith.cmpi slt, %jit3A, %sign3A_10 : i32
    %sign3A_12 = arith.extui %sign3A_11 : i1 to i32
    %sign3A_13 = arith.subi %sign3A_9, %sign3A_12 : i32
    %ne3A = arith.cmpi ne, %sign3A_6, %sign3A_13 : i32
    %rem3A = arith.remsi %add3A, %jit3A : i32
    %ne3A_14 = arith.constant 0 : i32
    %ne3A_15 = arith.cmpi ne, %rem3A, %ne3A_14 : i32
    %and3A = arith.andi %ne3A, %ne3A_15 : i1
    %sub3A = arith.constant 1 : i32
    %sub3A_16 = arith.subi %div3A, %sub3A : i32
    %select_n3A = arith.select %and3A, %sub3A_16, %div3A : i32
    %jit3A_17 = arith.constant 2 : i32
    %eq3A = arith.constant 0 : i32
    %eq3A_18 = arith.cmpi eq, %jit3A_17, %eq3A : i32
    %jit3A_19 = arith.constant 1 : i32
    %select_n3A_20 = arith.select %eq3A_18, %jit3A_19, %jit3A_17 : i32
    %rem3A_21 = arith.remsi %add3A, %select_n3A_20 : i32
    %ne3A_22 = arith.constant 0 : i32
    %ne3A_23 = arith.cmpi ne, %rem3A_21, %ne3A_22 : i32
    %lt3A = arith.constant 0 : i32
    %lt3A_24 = arith.cmpi slt, %rem3A_21, %lt3A : i32
    %lt3A_25 = arith.constant 0 : i32
    %lt3A_26 = arith.cmpi slt, %select_n3A_20, %lt3A_25 : i32
    %ne3A_27 = arith.xori %lt3A_24, %lt3A_26 : i1
    %and3A_28 = arith.andi %ne3A_27, %ne3A_23 : i1
    %add3A_29 = arith.addi %rem3A_21, %select_n3A_20 : i32
    %select_n3A_30 = arith.select %and3A_28, %add3A_29, %rem3A_21 : i32
    %mul3A_31 = arith.constant 256 : i32
    %mul3A_32 = arith.muli %select_n3A_30, %mul3A_31 : i32
    %mul3A_33 = arith.constant 64 : i32
    %mul3A_34 = arith.muli %mul3A_32, %mul3A_33 : i32
    "tpu.region"() ({
      %run_scoped3A = tpu.sem_alloc : memref<!tpu.dma_semaphore, #tpu.memory_space<semaphore_mem>>
      %dma_start3A = tpu.memref_slice %arg2[%select_n3A, %mul3A_34] : memref<16x32768xf32, #tpu.memory_space<hbm>> -> memref<1x16384xf32, #tpu.memory_space<hbm>>
      %dma_start3A_84 = tpu.memref_squeeze %dma_start3A : memref<1x16384xf32, #tpu.memory_space<hbm>> -> memref<16384xf32, #tpu.memory_space<hbm>>
      %dma_start3A_85 = tpu.memref_slice %arg2[%select_n3A, %mul3A_34] : memref<16x32768xf32, #tpu.memory_space<hbm>> -> memref<1x16384xf32, #tpu.memory_space<hbm>>
      %dma_start3A_86 = tpu.memref_squeeze %dma_start3A_85 : memref<1x16384xf32, #tpu.memory_space<hbm>> -> memref<16384xf32, #tpu.memory_space<hbm>>
      tpu.enqueue_dma source(%dma_start3A_86 : memref<16384xf32, #tpu.memory_space<hbm>>) target(%arg8 : memref<16384xf32, #tpu.memory_space<vmem>>) target_semaphore(%run_scoped3A : memref<!tpu.dma_semaphore, #tpu.memory_space<semaphore_mem>>)
      %dma_wait3A = tpu.memref_slice %arg2[%select_n3A, %mul3A_34] : memref<16x32768xf32, #tpu.memory_space<hbm>> -> memref<1x16384xf32, #tpu.memory_space<hbm>>
      %dma_wait3A_87 = tpu.memref_squeeze %dma_wait3A : memref<1x16384xf32, #tpu.memory_space<hbm>> -> memref<16384xf32, #tpu.memory_space<hbm>>
      %dma_wait3A_88 = tpu.memref_slice %arg2[%select_n3A, %mul3A_34] : memref<16x32768xf32, #tpu.memory_space<hbm>> -> memref<1x16384xf32, #tpu.memory_space<hbm>>
      %dma_wait3A_89 = tpu.memref_squeeze %dma_wait3A_88 : memref<1x16384xf32, #tpu.memory_space<hbm>> -> memref<16384xf32, #tpu.memory_space<hbm>>
      tpu.wait_dma2 semaphore(%run_scoped3A : memref<!tpu.dma_semaphore, #tpu.memory_space<semaphore_mem>>) src(%dma_wait3A_89 : memref<16384xf32, #tpu.memory_space<hbm>>) dst(%arg8 : memref<16384xf32, #tpu.memory_space<vmem>>)
      tpu.yield
    }) : () -> ()
    %mul3A_35 = arith.constant 256 : i32
    %mul3A_36 = arith.muli %select_n3A_30, %mul3A_35 : i32
    "tpu.region"() ({
      %run_scoped3A = tpu.sem_alloc : memref<!tpu.dma_semaphore, #tpu.memory_space<semaphore_mem>>
      %dma_start3A = tpu.memref_slice %arg3[%select_n3A, %mul3A_36] : memref<16x512xi32, #tpu.memory_space<hbm>> -> memref<1x256xi32, #tpu.memory_space<hbm>>
      %dma_start3A_84 = tpu.memref_squeeze %dma_start3A : memref<1x256xi32, #tpu.memory_space<hbm>> -> memref<256xi32, #tpu.memory_space<hbm>>
      %dma_start3A_85 = tpu.memref_slice %arg3[%select_n3A, %mul3A_36] : memref<16x512xi32, #tpu.memory_space<hbm>> -> memref<1x256xi32, #tpu.memory_space<hbm>>
      %dma_start3A_86 = tpu.memref_squeeze %dma_start3A_85 : memref<1x256xi32, #tpu.memory_space<hbm>> -> memref<256xi32, #tpu.memory_space<hbm>>
      tpu.enqueue_dma source(%dma_start3A_86 : memref<256xi32, #tpu.memory_space<hbm>>) target(%arg9 : memref<256xi32, #tpu.memory_space<vmem>>) target_semaphore(%run_scoped3A : memref<!tpu.dma_semaphore, #tpu.memory_space<semaphore_mem>>)
      %dma_wait3A = tpu.memref_slice %arg3[%select_n3A, %mul3A_36] : memref<16x512xi32, #tpu.memory_space<hbm>> -> memref<1x256xi32, #tpu.memory_space<hbm>>
      %dma_wait3A_87 = tpu.memref_squeeze %dma_wait3A : memref<1x256xi32, #tpu.memory_space<hbm>> -> memref<256xi32, #tpu.memory_space<hbm>>
      %dma_wait3A_88 = tpu.memref_slice %arg3[%select_n3A, %mul3A_36] : memref<16x512xi32, #tpu.memory_space<hbm>> -> memref<1x256xi32, #tpu.memory_space<hbm>>
      %dma_wait3A_89 = tpu.memref_squeeze %dma_wait3A_88 : memref<1x256xi32, #tpu.memory_space<hbm>> -> memref<256xi32, #tpu.memory_space<hbm>>
      tpu.wait_dma2 semaphore(%run_scoped3A : memref<!tpu.dma_semaphore, #tpu.memory_space<semaphore_mem>>) src(%dma_wait3A_89 : memref<256xi32, #tpu.memory_space<hbm>>) dst(%arg9 : memref<256xi32, #tpu.memory_space<vmem>>)
      tpu.yield
    }) : () -> ()
    %mul3A_37 = arith.constant 256 : i32
    %mul3A_38 = arith.muli %select_n3A_30, %mul3A_37 : i32
    "tpu.region"() ({
      %run_scoped3A = tpu.sem_alloc : memref<!tpu.dma_semaphore, #tpu.memory_space<semaphore_mem>>
      %dma_start3A = tpu.memref_slice %arg4[%select_n3A, %mul3A_38] : memref<16x512xi32, #tpu.memory_space<hbm>> -> memref<1x256xi32, #tpu.memory_space<hbm>>
      %dma_start3A_84 = tpu.memref_squeeze %dma_start3A : memref<1x256xi32, #tpu.memory_space<hbm>> -> memref<256xi32, #tpu.memory_space<hbm>>
      %dma_start3A_85 = tpu.memref_slice %arg4[%select_n3A, %mul3A_38] : memref<16x512xi32, #tpu.memory_space<hbm>> -> memref<1x256xi32, #tpu.memory_space<hbm>>
      %dma_start3A_86 = tpu.memref_squeeze %dma_start3A_85 : memref<1x256xi32, #tpu.memory_space<hbm>> -> memref<256xi32, #tpu.memory_space<hbm>>
      tpu.enqueue_dma source(%dma_start3A_86 : memref<256xi32, #tpu.memory_space<hbm>>) target(%arg10 : memref<256xi32, #tpu.memory_space<vmem>>) target_semaphore(%run_scoped3A : memref<!tpu.dma_semaphore, #tpu.memory_space<semaphore_mem>>)
      %dma_wait3A = tpu.memref_slice %arg4[%select_n3A, %mul3A_38] : memref<16x512xi32, #tpu.memory_space<hbm>> -> memref<1x256xi32, #tpu.memory_space<hbm>>
      %dma_wait3A_87 = tpu.memref_squeeze %dma_wait3A : memref<1x256xi32, #tpu.memory_space<hbm>> -> memref<256xi32, #tpu.memory_space<hbm>>
      %dma_wait3A_88 = tpu.memref_slice %arg4[%select_n3A, %mul3A_38] : memref<16x512xi32, #tpu.memory_space<hbm>> -> memref<1x256xi32, #tpu.memory_space<hbm>>
      %dma_wait3A_89 = tpu.memref_squeeze %dma_wait3A_88 : memref<1x256xi32, #tpu.memory_space<hbm>> -> memref<256xi32, #tpu.memory_space<hbm>>
      tpu.wait_dma2 semaphore(%run_scoped3A : memref<!tpu.dma_semaphore, #tpu.memory_space<semaphore_mem>>) src(%dma_wait3A_89 : memref<256xi32, #tpu.memory_space<hbm>>) dst(%arg10 : memref<256xi32, #tpu.memory_space<vmem>>)
      tpu.yield
    }) : () -> ()
    "tpu.region"() ({
      %run_scoped3A = tpu.sem_alloc : memref<!tpu.dma_semaphore, #tpu.memory_space<semaphore_mem>>
      tpu.enqueue_dma source(%arg5 : memref<16xi32, #tpu.memory_space<hbm>>) target(%arg11 : memref<16xi32, #tpu.memory_space<vmem>>) target_semaphore(%run_scoped3A : memref<!tpu.dma_semaphore, #tpu.memory_space<semaphore_mem>>)
      tpu.wait_dma2 semaphore(%run_scoped3A : memref<!tpu.dma_semaphore, #tpu.memory_space<semaphore_mem>>) src(%arg5 : memref<16xi32, #tpu.memory_space<hbm>>) dst(%arg11 : memref<16xi32, #tpu.memory_space<vmem>>)
      tpu.yield
    }) : () -> ()
    "tpu.region"() ({
      %run_scoped3A = tpu.sem_alloc : memref<!tpu.dma_semaphore, #tpu.memory_space<semaphore_mem>>
      tpu.enqueue_dma source(%arg6 : memref<4096xf32, #tpu.memory_space<hbm>>) target(%arg12 : memref<4096xf32, #tpu.memory_space<vmem>>) target_semaphore(%run_scoped3A : memref<!tpu.dma_semaphore, #tpu.memory_space<semaphore_mem>>)
      tpu.wait_dma2 semaphore(%run_scoped3A : memref<!tpu.dma_semaphore, #tpu.memory_space<semaphore_mem>>) src(%arg6 : memref<4096xf32, #tpu.memory_space<hbm>>) dst(%arg12 : memref<4096xf32, #tpu.memory_space<vmem>>)
      tpu.yield
    }) : () -> ()
    %broadcast_in_dim3A = vector.broadcast %select_n3A : i32 to vector<16xi32>
    %gather3A = tpu.vector_load_idx %arg11[%broadcast_in_dim3A] : memref<16xi32, #tpu.memory_space<vmem>>[vector<16xi32>], vector<16xi32>,
    %iota3A = tpu.iota {dimensions = array<i32: 0>} : vector<16xi32>
    %broadcast_in_dim3A_39 = arith.constant 0.000000e+00 : f32
    %broadcast_in_dim3A_40 = vector.broadcast %broadcast_in_dim3A_39 : f32 to vector<16xf32>
    %scan3A = arith.constant 0 : i32
    %scan3A_41 = arith.constant 16 : i32
    %scan3A_42 = arith.addi %scan3A, %scan3A_41 : i32
    %scan3A_43 = arith.constant 1 : i32
    %scan3A_44 = scf.for %scan3A_84 = %scan3A to %scan3A_42 step %scan3A_43 iter_args(%scan3A_85 = %broadcast_in_dim3A_40) -> (vector<16xf32>)  : i32 {
      %mul3A_86 = arith.constant 16 : i32
      %mul3A_87 = arith.muli %scan3A_84, %mul3A_86 : i32
      %add3A_88 = vector.broadcast %mul3A_87 : i32 to vector<16xi32>
      %add3A_89 = arith.addi %iota3A, %add3A_88 : vector<16xi32>
      %mul3A_90 = arith.constant 16 : i32
      %mul3A_91 = arith.muli %scan3A_84, %mul3A_90 : i32
      %get3A = arith.index_cast %mul3A_91 : i32 to index
      %get3A_92 = tpu.vector_load %arg9[%get3A] {strides = array<i32>} : memref<256xi32, #tpu.memory_space<vmem>>, vector<16xi32>,
      %mul3A_93 = arith.constant 16 : i32
      %mul3A_94 = arith.muli %scan3A_84, %mul3A_93 : i32
      %get3A_95 = arith.index_cast %mul3A_94 : i32 to index
      %get3A_96 = tpu.vector_load %arg10[%get3A_95] {strides = array<i32>} : memref<256xi32, #tpu.memory_space<vmem>>, vector<16xi32>,
      %mul3A_97 = arith.constant 64 : i32
      %mul3A_98 = vector.broadcast %mul3A_97 : i32 to vector<16xi32>
      %mul3A_99 = arith.muli %get3A_96, %mul3A_98 : vector<16xi32>
      %add3A_100 = arith.addi %mul3A_99, %get3A_92 : vector<16xi32>
      %gather3A_101 = tpu.vector_load_idx %arg12[%add3A_100] : memref<4096xf32, #tpu.memory_space<vmem>>[vector<16xi32>], vector<16xf32>,
      %mul3A_102 = arith.constant 64 : i32
      %mul3A_103 = vector.broadcast %mul3A_102 : i32 to vector<16xi32>
      %mul3A_104 = arith.muli %add3A_89, %mul3A_103 : vector<16xi32>
      %add3A_105 = arith.addi %mul3A_104, %get3A_92 : vector<16xi32>
      %gather3A_106 = tpu.vector_load_idx %arg8[%add3A_105] : memref<16384xf32, #tpu.memory_space<vmem>>[vector<16xi32>], vector<16xf32>,
      %mul3A_107 = arith.constant 256 : i32
      %mul3A_108 = arith.muli %select_n3A_30, %mul3A_107 : i32
      %add3A_109 = vector.broadcast %mul3A_108 : i32 to vector<16xi32>
      %add3A_110 = arith.addi %add3A_89, %add3A_109 : vector<16xi32>
      %lt3A_111 = arith.cmpi slt, %add3A_110, %gather3A : vector<16xi32>
      %jit3A_112 = arith.constant 1.000000e+00 : f32
      %jit3A_113 = arith.constant 0.000000e+00 : f32
      %broadcast_in_dim3A_114 = vector.broadcast %jit3A_112 : f32 to vector<16xf32>
      %broadcast_in_dim3A_115 = vector.broadcast %jit3A_113 : f32 to vector<16xf32>
      %select_n3A_116 = arith.select %lt3A_111, %broadcast_in_dim3A_114, %broadcast_in_dim3A_115 : vector<16xi1>, vector<16xf32>
      %add3A_117 = arith.addf %gather3A_101, %gather3A_106 : vector<16xf32>
      %mul3A_118 = arith.mulf %add3A_117, %select_n3A_116 : vector<16xf32>
      %add3A_119 = arith.addf %scan3A_85, %mul3A_118 : vector<16xf32>
      scf.yield %add3A_119 : vector<16xf32>
    }
    %scan3A_45 = arith.constant 16 : i32
    %sub3A_46 = arith.constant 1 : i32
    %sub3A_47 = vector.broadcast %sub3A_46 : i32 to vector<16xi32>
    %sub3A_48 = arith.subi %gather3A, %sub3A_47 : vector<16xi32>
    %mul3A_49 = arith.constant 256 : i32
    %mul3A_50 = arith.muli %select_n3A_30, %mul3A_49 : i32
    %sub3A_51 = vector.broadcast %mul3A_50 : i32 to vector<16xi32>
    %sub3A_52 = arith.subi %sub3A_48, %sub3A_51 : vector<16xi32>
    %max3A = arith.constant 0 : i32
    %max3A_53 = vector.broadcast %max3A : i32 to vector<16xi32>
    %max3A_54 = arith.maxsi %sub3A_52, %max3A_53 : vector<16xi32>
    %min3A = arith.constant 255 : i32
    %min3A_55 = vector.broadcast %min3A : i32 to vector<16xi32>
    %min3A_56 = arith.minsi %max3A_54, %min3A_55 : vector<16xi32>
    %gather3A_57 = tpu.vector_load_idx %arg9[%min3A_56] : memref<256xi32, #tpu.memory_space<vmem>>[vector<16xi32>], vector<16xi32>,
    %mul3A_58 = arith.constant 64 : i32
    %mul3A_59 = vector.broadcast %mul3A_58 : i32 to vector<16xi32>
    %mul3A_60 = arith.muli %gather3A_57, %mul3A_59 : vector<16xi32>
    %add3A_61 = arith.constant 62 : i32
    %add3A_62 = vector.broadcast %add3A_61 : i32 to vector<16xi32>
    %add3A_63 = arith.addi %mul3A_60, %add3A_62 : vector<16xi32>
    %gather3A_64 = tpu.vector_load_idx %arg12[%add3A_63] : memref<4096xf32, #tpu.memory_space<vmem>>[vector<16xi32>], vector<16xf32>,
    %mul3A_65 = arith.constant 256 : i32
    %mul3A_66 = arith.muli %select_n3A_30, %mul3A_65 : i32
    %ge3A = vector.broadcast %mul3A_66 : i32 to vector<16xi32>
    %ge3A_67 = arith.cmpi sge, %sub3A_48, %ge3A : vector<16xi32>
    %add3A_68 = arith.constant 1 : i32
    %add3A_69 = arith.addi %select_n3A_30, %add3A_68 : i32
    %mul3A_70 = arith.constant 256 : i32
    %mul3A_71 = arith.muli %add3A_69, %mul3A_70 : i32
    %lt3A_72 = vector.broadcast %mul3A_71 : i32 to vector<16xi32>
    %lt3A_73 = arith.cmpi slt, %sub3A_48, %lt3A_72 : vector<16xi32>
    %and3A_74 = arith.andi %ge3A_67, %lt3A_73 : vector<16xi1>
    %eq3A_75 = arith.constant 0 : i32
    %eq3A_76 = vector.broadcast %eq3A_75 : i32 to vector<16xi32>
    %eq3A_77 = arith.cmpi eq, %iota3A, %eq3A_76 : vector<16xi32>
    %and3A_78 = arith.andi %and3A_74, %eq3A_77 : vector<16xi1>
    %jit3A_79 = arith.constant 0.000000e+00 : f32
    %broadcast_in_dim3A_80 = vector.broadcast %jit3A_79 : f32 to vector<16xf32>
    %select_n3A_81 = arith.select %and3A_78, %gather3A_64, %broadcast_in_dim3A_80 : vector<16xi1>, vector<16xf32>
    %add3A_82 = arith.addf %scan3A_44, %select_n3A_81 : vector<16xf32>
    %swap3A = arith.constant 0 : index
    %swap3A_83 = tpu.vector_load %arg13[%swap3A] {strides = array<i32>} : memref<16xf32, #tpu.memory_space<vmem>>, vector<16xf32>,
    tpu.vector_store %arg13[%swap3A], %add3A_82 {strides = array<i32>} : memref<16xf32, #tpu.memory_space<vmem>>, vector<16xf32>,
    "tpu.region"() ({
      %run_scoped3A = tpu.sem_alloc : memref<!tpu.dma_semaphore, #tpu.memory_space<semaphore_mem>>
      %dma_start3A = arith.constant 0 : i32
      %dma_start3A_84 = tpu.memref_slice %arg7[%add3A, %dma_start3A] : memref<32x16xf32, #tpu.memory_space<hbm>> -> memref<1x16xf32, #tpu.memory_space<hbm>>
      %dma_start3A_85 = tpu.memref_squeeze %dma_start3A_84 : memref<1x16xf32, #tpu.memory_space<hbm>> -> memref<16xf32, #tpu.memory_space<hbm>>
      %dma_start3A_86 = arith.constant 0 : i32
      %dma_start3A_87 = tpu.memref_slice %arg7[%add3A, %dma_start3A_86] : memref<32x16xf32, #tpu.memory_space<hbm>> -> memref<1x16xf32, #tpu.memory_space<hbm>>
      %dma_start3A_88 = tpu.memref_squeeze %dma_start3A_87 : memref<1x16xf32, #tpu.memory_space<hbm>> -> memref<16xf32, #tpu.memory_space<hbm>>
      tpu.enqueue_dma source(%arg13 : memref<16xf32, #tpu.memory_space<vmem>>) target(%dma_start3A_88 : memref<16xf32, #tpu.memory_space<hbm>>) target_semaphore(%run_scoped3A : memref<!tpu.dma_semaphore, #tpu.memory_space<semaphore_mem>>)
      %dma_wait3A = arith.constant 0 : i32
      %dma_wait3A_89 = tpu.memref_slice %arg7[%add3A, %dma_wait3A] : memref<32x16xf32, #tpu.memory_space<hbm>> -> memref<1x16xf32, #tpu.memory_space<hbm>>
      %dma_wait3A_90 = tpu.memref_squeeze %dma_wait3A_89 : memref<1x16xf32, #tpu.memory_space<hbm>> -> memref<16xf32, #tpu.memory_space<hbm>>
      %dma_wait3A_91 = arith.constant 0 : i32
      %dma_wait3A_92 = tpu.memref_slice %arg7[%add3A, %dma_wait3A_91] : memref<32x16xf32, #tpu.memory_space<hbm>> -> memref<1x16xf32, #tpu.memory_space<hbm>>
      %dma_wait3A_93 = tpu.memref_squeeze %dma_wait3A_92 : memref<1x16xf32, #tpu.memory_space<hbm>> -> memref<16xf32, #tpu.memory_space<hbm>>
      tpu.wait_dma2 semaphore(%run_scoped3A : memref<!tpu.dma_semaphore, #tpu.memory_space<semaphore_mem>>) src(%arg13 : memref<16xf32, #tpu.memory_space<vmem>>) dst(%dma_wait3A_93 : memref<16xf32, #tpu.memory_space<hbm>>)
      tpu.yield
    }) : () -> ()
    return
  }
}

module attributes {stable_mosaic.version = 14 : i64} {
  func.func @_scan_body(%arg0: memref<512x16x64xf32, #tpu.memory_space<vmem>>, %arg1: memref<16x1xi32, #tpu.memory_space<vmem>>, %arg2: memref<64x64xf32, #tpu.memory_space<vmem>>, %arg3: memref<1x1xf32, #tpu.memory_space<vmem>>) attributes {dimension_semantics = [], scalar_prefetch = 0 : i64, scratch_operands = 0 : i64, tpu.core_type = #tpu.core_type<tc>} {
    %get3A = arith.constant 0 : index
    %get3A_0 = arith.constant 0 : index
    %get3A_1 = vector.load %arg2[%get3A, %get3A_0] : memref<64x64xf32, #tpu.memory_space<vmem>>, vector<64x64xf32>
    %reduce_max3A = vector.shape_cast %get3A_1 : vector<64x64xf32> to vector<1x64x64xf32>
    %reduce_max3A_2 = arith.constant dense<0xFF800000> : vector<1xf32>
    %reduce_max3A_3 = vector.multi_reduction <maximumf>, %reduce_max3A, %reduce_max3A_2 [1, 2] : vector<1x64x64xf32> to vector<1xf32>
    %reduce_max3A_4 = vector.shape_cast %reduce_max3A_3 : vector<1xf32> to vector<1x1x1xf32>
    %reduce_max3A_5 = vector.extract %reduce_max3A_4[0, 0, 0] : f32 from vector<1x1x1xf32>
    %sub3A = vector.broadcast %reduce_max3A_5 : f32 to vector<64x64xf32>
    %sub3A_6 = arith.subf %get3A_1, %sub3A : vector<64x64xf32>
    %exp3A = math.exp %sub3A_6 : vector<64x64xf32>
    %get3A_7 = arith.constant 0 : index
    %get3A_8 = arith.constant 0 : index
    %get3A_9 = vector.load %arg1[%get3A_7, %get3A_8] : memref<16x1xi32, #tpu.memory_space<vmem>>, vector<16x1xi32>
    %slice3A = vector.extract_strided_slice %get3A_1 {offsets = [61, 0], sizes = [1, 64], strides = [1, 1]} : vector<64x64xf32> to vector<1x64xf32>
    %get3A_10 = arith.constant 0 : index
    %get3A_11 = arith.constant 0 : index
    %get3A_12 = arith.constant 0 : index
    %get3A_13 = vector.load %arg0[%get3A_10, %get3A_11, %get3A_12] : memref<512x16x64xf32, #tpu.memory_space<vmem>>, vector<1x16x64xf32>
    %get3A_14 = vector.shape_cast %get3A_13 : vector<1x16x64xf32> to vector<16x64xf32>
    %add3A = vector.broadcast %slice3A : vector<1x64xf32> to vector<16x64xf32>
    %add3A_15 = arith.addf %add3A, %get3A_14 : vector<16x64xf32>
    %reduce_max3A_16 = arith.constant dense<0xFF800000> : vector<16xf32>
    %reduce_max3A_17 = vector.multi_reduction <maximumf>, %add3A_15, %reduce_max3A_16 [1] : vector<16x64xf32> to vector<16xf32>
    %broadcast_in_dim3A = vector.shape_cast %reduce_max3A_17 : vector<16xf32> to vector<16x1xf32>
    %sub3A_18 = vector.broadcast %broadcast_in_dim3A : vector<16x1xf32> to vector<16x64xf32>
    %sub3A_19 = arith.subf %add3A_15, %sub3A_18 : vector<16x64xf32>
    %exp3A_20 = math.exp %sub3A_19 : vector<16x64xf32>
    %reduce_max3A_21 = arith.constant dense<0xFF800000> : vector<16xf32>
    %reduce_max3A_22 = vector.multi_reduction <maximumf>, %exp3A_20, %reduce_max3A_21 [1] : vector<16x64xf32> to vector<16xf32>
    %broadcast_in_dim3A_23 = vector.shape_cast %reduce_max3A_22 : vector<16xf32> to vector<16x1xf32>
    %dot_general3A = arith.constant dense<0.000000e+00> : vector<16x64xf32>
    %dot_general3A_24 = tpu.matmul %exp3A_20, %exp3A, %dot_general3A {dimension_numbers = #tpu.dot_dimension_numbers<[1], [0], [0], [1], [0, 0, 1, 1], [], []>, transpose_lhs_hint = false} : vector<16x64xf32>, vector<64x64xf32>, vector<16x64xf32> -> vector<16x64xf32>
    %get3A_25 = arith.constant 1 : index
    %get3A_26 = arith.constant 0 : index
    %get3A_27 = arith.constant 0 : index
    %get3A_28 = vector.load %arg0[%get3A_25, %get3A_26, %get3A_27] : memref<512x16x64xf32, #tpu.memory_space<vmem>>, vector<1x16x64xf32>
    %get3A_29 = vector.shape_cast %get3A_28 : vector<1x16x64xf32> to vector<16x64xf32>
    %exp3A_30 = math.exp %get3A_29 : vector<16x64xf32>
    %div3A = arith.constant 1.000000e+00 : f32
    %div3A_31 = vector.broadcast %div3A : f32 to vector<16x1xf32>
    %div3A_32 = arith.divf %div3A_31, %broadcast_in_dim3A_23 : vector<16x1xf32>
    %mul3A = vector.broadcast %div3A_32 : vector<16x1xf32> to vector<16x64xf32>
    %mul3A_33 = arith.mulf %exp3A_30, %mul3A : vector<16x64xf32>
    %mul3A_34 = arith.mulf %dot_general3A_24, %mul3A_33 : vector<16x64xf32>
    %log3A = math.log %broadcast_in_dim3A_23 : vector<16x1xf32>
    %add3A_35 = vector.broadcast %reduce_max3A_5 : f32 to vector<16x1xf32>
    %add3A_36 = arith.addf %log3A, %add3A_35 : vector<16x1xf32>
    %add3A_37 = arith.addf %broadcast_in_dim3A, %add3A_36 : vector<16x1xf32>
    %sub3A_38 = arith.constant 1 : i32
    %sub3A_39 = vector.broadcast %sub3A_38 : i32 to vector<16x1xi32>
    %sub3A_40 = arith.subi %get3A_9, %sub3A_39 : vector<16x1xi32>
    %eq3A = arith.constant 1 : i32
    %eq3A_41 = vector.broadcast %eq3A : i32 to vector<16x1xi32>
    %eq3A_42 = arith.cmpi eq, %sub3A_40, %eq3A_41 : vector<16x1xi32>
    %broadcast_in_dim3A_43 = vector.shape_cast %eq3A_42 : vector<16x1xi1> to vector<16x1xi1>
    %broadcast_in_dim3A_44 = vector.broadcast %broadcast_in_dim3A_43 : vector<16x1xi1> to vector<16x64xi1>
    %select_n3A = arith.select %broadcast_in_dim3A_44, %mul3A_34, %exp3A_20 : vector<16x64xi1>, vector<16x64xf32>
    %select_n3A_45 = arith.select %eq3A_42, %add3A_37, %broadcast_in_dim3A : vector<16x1xi1>, vector<16x1xf32>
    %reduce_max3A_46 = arith.constant dense<0xFF800000> : vector<16xf32>
    %reduce_max3A_47 = vector.multi_reduction <maximumf>, %mul3A_34, %reduce_max3A_46 [1] : vector<16x64xf32> to vector<16xf32>
    %broadcast_in_dim3A_48 = vector.shape_cast %reduce_max3A_47 : vector<16xf32> to vector<16x1xf32>
    %dot_general3A_49 = arith.constant dense<0.000000e+00> : vector<16x64xf32>
    %dot_general3A_50 = tpu.matmul %mul3A_34, %exp3A, %dot_general3A_49 {dimension_numbers = #tpu.dot_dimension_numbers<[1], [0], [0], [1], [0, 0, 1, 1], [], []>, transpose_lhs_hint = false} : vector<16x64xf32>, vector<64x64xf32>, vector<16x64xf32> -> vector<16x64xf32>
    %get3A_51 = arith.constant 2 : index
    %get3A_52 = arith.constant 0 : index
    %get3A_53 = arith.constant 0 : index
    %get3A_54 = vector.load %arg0[%get3A_51, %get3A_52, %get3A_53] : memref<512x16x64xf32, #tpu.memory_space<vmem>>, vector<1x16x64xf32>
    %get3A_55 = vector.shape_cast %get3A_54 : vector<1x16x64xf32> to vector<16x64xf32>
    %exp3A_56 = math.exp %get3A_55 : vector<16x64xf32>
    %div3A_57 = arith.constant 1.000000e+00 : f32
    %div3A_58 = vector.broadcast %div3A_57 : f32 to vector<16x1xf32>
    %div3A_59 = arith.divf %div3A_58, %broadcast_in_dim3A_48 : vector<16x1xf32>
    %mul3A_60 = vector.broadcast %div3A_59 : vector<16x1xf32> to vector<16x64xf32>
    %mul3A_61 = arith.mulf %exp3A_56, %mul3A_60 : vector<16x64xf32>
    %mul3A_62 = arith.mulf %dot_general3A_50, %mul3A_61 : vector<16x64xf32>
    %log3A_63 = math.log %broadcast_in_dim3A_48 : vector<16x1xf32>
    %add3A_64 = vector.broadcast %reduce_max3A_5 : f32 to vector<16x1xf32>
    %add3A_65 = arith.addf %log3A_63, %add3A_64 : vector<16x1xf32>
    %add3A_66 = arith.addf %add3A_37, %add3A_65 : vector<16x1xf32>
    %sub3A_67 = arith.constant 1 : i32
    %sub3A_68 = vector.broadcast %sub3A_67 : i32 to vector<16x1xi32>
    %sub3A_69 = arith.subi %get3A_9, %sub3A_68 : vector<16x1xi32>
    %eq3A_70 = arith.constant 2 : i32
    %eq3A_71 = vector.broadcast %eq3A_70 : i32 to vector<16x1xi32>
    %eq3A_72 = arith.cmpi eq, %sub3A_69, %eq3A_71 : vector<16x1xi32>
    %broadcast_in_dim3A_73 = vector.shape_cast %eq3A_72 : vector<16x1xi1> to vector<16x1xi1>
    %broadcast_in_dim3A_74 = vector.broadcast %broadcast_in_dim3A_73 : vector<16x1xi1> to vector<16x64xi1>
    %select_n3A_75 = arith.select %broadcast_in_dim3A_74, %mul3A_62, %select_n3A : vector<16x64xi1>, vector<16x64xf32>
    %select_n3A_76 = arith.select %eq3A_72, %add3A_66, %select_n3A_45 : vector<16x1xi1>, vector<16x1xf32>
    %reduce_max3A_77 = arith.constant dense<0xFF800000> : vector<16xf32>
    %reduce_max3A_78 = vector.multi_reduction <maximumf>, %mul3A_62, %reduce_max3A_77 [1] : vector<16x64xf32> to vector<16xf32>
    %broadcast_in_dim3A_79 = vector.shape_cast %reduce_max3A_78 : vector<16xf32> to vector<16x1xf32>
    %dot_general3A_80 = arith.constant dense<0.000000e+00> : vector<16x64xf32>
    %dot_general3A_81 = tpu.matmul %mul3A_62, %exp3A, %dot_general3A_80 {dimension_numbers = #tpu.dot_dimension_numbers<[1], [0], [0], [1], [0, 0, 1, 1], [], []>, transpose_lhs_hint = false} : vector<16x64xf32>, vector<64x64xf32>, vector<16x64xf32> -> vector<16x64xf32>
    %get3A_82 = arith.constant 3 : index
    %get3A_83 = arith.constant 0 : index
    %get3A_84 = arith.constant 0 : index
    %get3A_85 = vector.load %arg0[%get3A_82, %get3A_83, %get3A_84] : memref<512x16x64xf32, #tpu.memory_space<vmem>>, vector<1x16x64xf32>
    %get3A_86 = vector.shape_cast %get3A_85 : vector<1x16x64xf32> to vector<16x64xf32>
    %exp3A_87 = math.exp %get3A_86 : vector<16x64xf32>
    %div3A_88 = arith.constant 1.000000e+00 : f32
    %div3A_89 = vector.broadcast %div3A_88 : f32 to vector<16x1xf32>
    %div3A_90 = arith.divf %div3A_89, %broadcast_in_dim3A_79 : vector<16x1xf32>
    %mul3A_91 = vector.broadcast %div3A_90 : vector<16x1xf32> to vector<16x64xf32>
    %mul3A_92 = arith.mulf %exp3A_87, %mul3A_91 : vector<16x64xf32>
    %mul3A_93 = arith.mulf %dot_general3A_81, %mul3A_92 : vector<16x64xf32>
    %log3A_94 = math.log %broadcast_in_dim3A_79 : vector<16x1xf32>
    %add3A_95 = vector.broadcast %reduce_max3A_5 : f32 to vector<16x1xf32>
    %add3A_96 = arith.addf %log3A_94, %add3A_95 : vector<16x1xf32>
    %add3A_97 = arith.addf %add3A_66, %add3A_96 : vector<16x1xf32>
    %sub3A_98 = arith.constant 1 : i32
    %sub3A_99 = vector.broadcast %sub3A_98 : i32 to vector<16x1xi32>
    %sub3A_100 = arith.subi %get3A_9, %sub3A_99 : vector<16x1xi32>
    %eq3A_101 = arith.constant 3 : i32
    %eq3A_102 = vector.broadcast %eq3A_101 : i32 to vector<16x1xi32>
    %eq3A_103 = arith.cmpi eq, %sub3A_100, %eq3A_102 : vector<16x1xi32>
    %broadcast_in_dim3A_104 = vector.shape_cast %eq3A_103 : vector<16x1xi1> to vector<16x1xi1>
    %broadcast_in_dim3A_105 = vector.broadcast %broadcast_in_dim3A_104 : vector<16x1xi1> to vector<16x64xi1>
    %select_n3A_106 = arith.select %broadcast_in_dim3A_105, %mul3A_93, %select_n3A_75 : vector<16x64xi1>, vector<16x64xf32>
    %select_n3A_107 = arith.select %eq3A_103, %add3A_97, %select_n3A_76 : vector<16x1xi1>, vector<16x1xf32>
    %reduce_max3A_108 = arith.constant dense<0xFF800000> : vector<16xf32>
    %reduce_max3A_109 = vector.multi_reduction <maximumf>, %mul3A_93, %reduce_max3A_108 [1] : vector<16x64xf32> to vector<16xf32>
    %broadcast_in_dim3A_110 = vector.shape_cast %reduce_max3A_109 : vector<16xf32> to vector<16x1xf32>
    %dot_general3A_111 = arith.constant dense<0.000000e+00> : vector<16x64xf32>
    %dot_general3A_112 = tpu.matmul %mul3A_93, %exp3A, %dot_general3A_111 {dimension_numbers = #tpu.dot_dimension_numbers<[1], [0], [0], [1], [0, 0, 1, 1], [], []>, transpose_lhs_hint = false} : vector<16x64xf32>, vector<64x64xf32>, vector<16x64xf32> -> vector<16x64xf32>
    %get3A_113 = arith.constant 4 : index
    %get3A_114 = arith.constant 0 : index
    %get3A_115 = arith.constant 0 : index
    %get3A_116 = vector.load %arg0[%get3A_113, %get3A_114, %get3A_115] : memref<512x16x64xf32, #tpu.memory_space<vmem>>, vector<1x16x64xf32>
    %get3A_117 = vector.shape_cast %get3A_116 : vector<1x16x64xf32> to vector<16x64xf32>
    %exp3A_118 = math.exp %get3A_117 : vector<16x64xf32>
    %div3A_119 = arith.constant 1.000000e+00 : f32
    %div3A_120 = vector.broadcast %div3A_119 : f32 to vector<16x1xf32>
    %div3A_121 = arith.divf %div3A_120, %broadcast_in_dim3A_110 : vector<16x1xf32>
    %mul3A_122 = vector.broadcast %div3A_121 : vector<16x1xf32> to vector<16x64xf32>
    %mul3A_123 = arith.mulf %exp3A_118, %mul3A_122 : vector<16x64xf32>
    %mul3A_124 = arith.mulf %dot_general3A_112, %mul3A_123 : vector<16x64xf32>
    %log3A_125 = math.log %broadcast_in_dim3A_110 : vector<16x1xf32>
    %add3A_126 = vector.broadcast %reduce_max3A_5 : f32 to vector<16x1xf32>
    %add3A_127 = arith.addf %log3A_125, %add3A_126 : vector<16x1xf32>
    %add3A_128 = arith.addf %add3A_97, %add3A_127 : vector<16x1xf32>
    %sub3A_129 = arith.constant 1 : i32
    %sub3A_130 = vector.broadcast %sub3A_129 : i32 to vector<16x1xi32>
    %sub3A_131 = arith.subi %get3A_9, %sub3A_130 : vector<16x1xi32>
    %eq3A_132 = arith.constant 4 : i32
    %eq3A_133 = vector.broadcast %eq3A_132 : i32 to vector<16x1xi32>
    %eq3A_134 = arith.cmpi eq, %sub3A_131, %eq3A_133 : vector<16x1xi32>
    %broadcast_in_dim3A_135 = vector.shape_cast %eq3A_134 : vector<16x1xi1> to vector<16x1xi1>
    %broadcast_in_dim3A_136 = vector.broadcast %broadcast_in_dim3A_135 : vector<16x1xi1> to vector<16x64xi1>
    %select_n3A_137 = arith.select %broadcast_in_dim3A_136, %mul3A_124, %select_n3A_106 : vector<16x64xi1>, vector<16x64xf32>
    %select_n3A_138 = arith.select %eq3A_134, %add3A_128, %select_n3A_107 : vector<16x1xi1>, vector<16x1xf32>
    %reduce_max3A_139 = arith.constant dense<0xFF800000> : vector<16xf32>
    %reduce_max3A_140 = vector.multi_reduction <maximumf>, %mul3A_124, %reduce_max3A_139 [1] : vector<16x64xf32> to vector<16xf32>
    %broadcast_in_dim3A_141 = vector.shape_cast %reduce_max3A_140 : vector<16xf32> to vector<16x1xf32>
    %dot_general3A_142 = arith.constant dense<0.000000e+00> : vector<16x64xf32>
    %dot_general3A_143 = tpu.matmul %mul3A_124, %exp3A, %dot_general3A_142 {dimension_numbers = #tpu.dot_dimension_numbers<[1], [0], [0], [1], [0, 0, 1, 1], [], []>, transpose_lhs_hint = false} : vector<16x64xf32>, vector<64x64xf32>, vector<16x64xf32> -> vector<16x64xf32>
    %get3A_144 = arith.constant 5 : index
    %get3A_145 = arith.constant 0 : index
    %get3A_146 = arith.constant 0 : index
    %get3A_147 = vector.load %arg0[%get3A_144, %get3A_145, %get3A_146] : memref<512x16x64xf32, #tpu.memory_space<vmem>>, vector<1x16x64xf32>
    %get3A_148 = vector.shape_cast %get3A_147 : vector<1x16x64xf32> to vector<16x64xf32>
    %exp3A_149 = math.exp %get3A_148 : vector<16x64xf32>
    %div3A_150 = arith.constant 1.000000e+00 : f32
    %div3A_151 = vector.broadcast %div3A_150 : f32 to vector<16x1xf32>
    %div3A_152 = arith.divf %div3A_151, %broadcast_in_dim3A_141 : vector<16x1xf32>
    %mul3A_153 = vector.broadcast %div3A_152 : vector<16x1xf32> to vector<16x64xf32>
    %mul3A_154 = arith.mulf %exp3A_149, %mul3A_153 : vector<16x64xf32>
    %mul3A_155 = arith.mulf %dot_general3A_143, %mul3A_154 : vector<16x64xf32>
    %log3A_156 = math.log %broadcast_in_dim3A_141 : vector<16x1xf32>
    %add3A_157 = vector.broadcast %reduce_max3A_5 : f32 to vector<16x1xf32>
    %add3A_158 = arith.addf %log3A_156, %add3A_157 : vector<16x1xf32>
    %add3A_159 = arith.addf %add3A_128, %add3A_158 : vector<16x1xf32>
    %sub3A_160 = arith.constant 1 : i32
    %sub3A_161 = vector.broadcast %sub3A_160 : i32 to vector<16x1xi32>
    %sub3A_162 = arith.subi %get3A_9, %sub3A_161 : vector<16x1xi32>
    %eq3A_163 = arith.constant 5 : i32
    %eq3A_164 = vector.broadcast %eq3A_163 : i32 to vector<16x1xi32>
    %eq3A_165 = arith.cmpi eq, %sub3A_162, %eq3A_164 : vector<16x1xi32>
    %broadcast_in_dim3A_166 = vector.shape_cast %eq3A_165 : vector<16x1xi1> to vector<16x1xi1>
    %broadcast_in_dim3A_167 = vector.broadcast %broadcast_in_dim3A_166 : vector<16x1xi1> to vector<16x64xi1>
    %select_n3A_168 = arith.select %broadcast_in_dim3A_167, %mul3A_155, %select_n3A_137 : vector<16x64xi1>, vector<16x64xf32>
    %select_n3A_169 = arith.select %eq3A_165, %add3A_159, %select_n3A_138 : vector<16x1xi1>, vector<16x1xf32>
    %reduce_max3A_170 = arith.constant dense<0xFF800000> : vector<16xf32>
    %reduce_max3A_171 = vector.multi_reduction <maximumf>, %mul3A_155, %reduce_max3A_170 [1] : vector<16x64xf32> to vector<16xf32>
    %broadcast_in_dim3A_172 = vector.shape_cast %reduce_max3A_171 : vector<16xf32> to vector<16x1xf32>
    %dot_general3A_173 = arith.constant dense<0.000000e+00> : vector<16x64xf32>
    %dot_general3A_174 = tpu.matmul %mul3A_155, %exp3A, %dot_general3A_173 {dimension_numbers = #tpu.dot_dimension_numbers<[1], [0], [0], [1], [0, 0, 1, 1], [], []>, transpose_lhs_hint = false} : vector<16x64xf32>, vector<64x64xf32>, vector<16x64xf32> -> vector<16x64xf32>
    %get3A_175 = arith.constant 6 : index
    %get3A_176 = arith.constant 0 : index
    %get3A_177 = arith.constant 0 : index
    %get3A_178 = vector.load %arg0[%get3A_175, %get3A_176, %get3A_177] : memref<512x16x64xf32, #tpu.memory_space<vmem>>, vector<1x16x64xf32>
    %get3A_179 = vector.shape_cast %get3A_178 : vector<1x16x64xf32> to vector<16x64xf32>
    %exp3A_180 = math.exp %get3A_179 : vector<16x64xf32>
    %div3A_181 = arith.constant 1.000000e+00 : f32
    %div3A_182 = vector.broadcast %div3A_181 : f32 to vector<16x1xf32>
    %div3A_183 = arith.divf %div3A_182, %broadcast_in_dim3A_172 : vector<16x1xf32>
    %mul3A_184 = vector.broadcast %div3A_183 : vector<16x1xf32> to vector<16x64xf32>
    %mul3A_185 = arith.mulf %exp3A_180, %mul3A_184 : vector<16x64xf32>
    %mul3A_186 = arith.mulf %dot_general3A_174, %mul3A_185 : vector<16x64xf32>
    %log3A_187 = math.log %broadcast_in_dim3A_172 : vector<16x1xf32>
    %add3A_188 = vector.broadcast %reduce_max3A_5 : f32 to vector<16x1xf32>
    %add3A_189 = arith.addf %log3A_187, %add3A_188 : vector<16x1xf32>
    %add3A_190 = arith.addf %add3A_159, %add3A_189 : vector<16x1xf32>
    %sub3A_191 = arith.constant 1 : i32
    %sub3A_192 = vector.broadcast %sub3A_191 : i32 to vector<16x1xi32>
    %sub3A_193 = arith.subi %get3A_9, %sub3A_192 : vector<16x1xi32>
    %eq3A_194 = arith.constant 6 : i32
    %eq3A_195 = vector.broadcast %eq3A_194 : i32 to vector<16x1xi32>
    %eq3A_196 = arith.cmpi eq, %sub3A_193, %eq3A_195 : vector<16x1xi32>
    %broadcast_in_dim3A_197 = vector.shape_cast %eq3A_196 : vector<16x1xi1> to vector<16x1xi1>
    %broadcast_in_dim3A_198 = vector.broadcast %broadcast_in_dim3A_197 : vector<16x1xi1> to vector<16x64xi1>
    %select_n3A_199 = arith.select %broadcast_in_dim3A_198, %mul3A_186, %select_n3A_168 : vector<16x64xi1>, vector<16x64xf32>
    %select_n3A_200 = arith.select %eq3A_196, %add3A_190, %select_n3A_169 : vector<16x1xi1>, vector<16x1xf32>
    %reduce_max3A_201 = arith.constant dense<0xFF800000> : vector<16xf32>
    %reduce_max3A_202 = vector.multi_reduction <maximumf>, %mul3A_186, %reduce_max3A_201 [1] : vector<16x64xf32> to vector<16xf32>
    %broadcast_in_dim3A_203 = vector.shape_cast %reduce_max3A_202 : vector<16xf32> to vector<16x1xf32>
    %dot_general3A_204 = arith.constant dense<0.000000e+00> : vector<16x64xf32>
    %dot_general3A_205 = tpu.matmul %mul3A_186, %exp3A, %dot_general3A_204 {dimension_numbers = #tpu.dot_dimension_numbers<[1], [0], [0], [1], [0, 0, 1, 1], [], []>, transpose_lhs_hint = false} : vector<16x64xf32>, vector<64x64xf32>, vector<16x64xf32> -> vector<16x64xf32>
    %get3A_206 = arith.constant 7 : index
    %get3A_207 = arith.constant 0 : index
    %get3A_208 = arith.constant 0 : index
    %get3A_209 = vector.load %arg0[%get3A_206, %get3A_207, %get3A_208] : memref<512x16x64xf32, #tpu.memory_space<vmem>>, vector<1x16x64xf32>
    %get3A_210 = vector.shape_cast %get3A_209 : vector<1x16x64xf32> to vector<16x64xf32>
    %exp3A_211 = math.exp %get3A_210 : vector<16x64xf32>
    %div3A_212 = arith.constant 1.000000e+00 : f32
    %div3A_213 = vector.broadcast %div3A_212 : f32 to vector<16x1xf32>
    %div3A_214 = arith.divf %div3A_213, %broadcast_in_dim3A_203 : vector<16x1xf32>
    %mul3A_215 = vector.broadcast %div3A_214 : vector<16x1xf32> to vector<16x64xf32>
    %mul3A_216 = arith.mulf %exp3A_211, %mul3A_215 : vector<16x64xf32>
    %mul3A_217 = arith.mulf %dot_general3A_205, %mul3A_216 : vector<16x64xf32>
    %log3A_218 = math.log %broadcast_in_dim3A_203 : vector<16x1xf32>
    %add3A_219 = vector.broadcast %reduce_max3A_5 : f32 to vector<16x1xf32>
    %add3A_220 = arith.addf %log3A_218, %add3A_219 : vector<16x1xf32>
    %add3A_221 = arith.addf %add3A_190, %add3A_220 : vector<16x1xf32>
    %sub3A_222 = arith.constant 1 : i32
    %sub3A_223 = vector.broadcast %sub3A_222 : i32 to vector<16x1xi32>
    %sub3A_224 = arith.subi %get3A_9, %sub3A_223 : vector<16x1xi32>
    %eq3A_225 = arith.constant 7 : i32
    %eq3A_226 = vector.broadcast %eq3A_225 : i32 to vector<16x1xi32>
    %eq3A_227 = arith.cmpi eq, %sub3A_224, %eq3A_226 : vector<16x1xi32>
    %broadcast_in_dim3A_228 = vector.shape_cast %eq3A_227 : vector<16x1xi1> to vector<16x1xi1>
    %broadcast_in_dim3A_229 = vector.broadcast %broadcast_in_dim3A_228 : vector<16x1xi1> to vector<16x64xi1>
    %select_n3A_230 = arith.select %broadcast_in_dim3A_229, %mul3A_217, %select_n3A_199 : vector<16x64xi1>, vector<16x64xf32>
    %select_n3A_231 = arith.select %eq3A_227, %add3A_221, %select_n3A_200 : vector<16x1xi1>, vector<16x1xf32>
    %reduce_max3A_232 = arith.constant dense<0xFF800000> : vector<16xf32>
    %reduce_max3A_233 = vector.multi_reduction <maximumf>, %mul3A_217, %reduce_max3A_232 [1] : vector<16x64xf32> to vector<16xf32>
    %broadcast_in_dim3A_234 = vector.shape_cast %reduce_max3A_233 : vector<16xf32> to vector<16x1xf32>
    %dot_general3A_235 = arith.constant dense<0.000000e+00> : vector<16x64xf32>
    %dot_general3A_236 = tpu.matmul %mul3A_217, %exp3A, %dot_general3A_235 {dimension_numbers = #tpu.dot_dimension_numbers<[1], [0], [0], [1], [0, 0, 1, 1], [], []>, transpose_lhs_hint = false} : vector<16x64xf32>, vector<64x64xf32>, vector<16x64xf32> -> vector<16x64xf32>
    %get3A_237 = arith.constant 8 : index
    %get3A_238 = arith.constant 0 : index
    %get3A_239 = arith.constant 0 : index
    %get3A_240 = vector.load %arg0[%get3A_237, %get3A_238, %get3A_239] : memref<512x16x64xf32, #tpu.memory_space<vmem>>, vector<1x16x64xf32>
    %get3A_241 = vector.shape_cast %get3A_240 : vector<1x16x64xf32> to vector<16x64xf32>
    %exp3A_242 = math.exp %get3A_241 : vector<16x64xf32>
    %div3A_243 = arith.constant 1.000000e+00 : f32
    %div3A_244 = vector.broadcast %div3A_243 : f32 to vector<16x1xf32>
    %div3A_245 = arith.divf %div3A_244, %broadcast_in_dim3A_234 : vector<16x1xf32>
    %mul3A_246 = vector.broadcast %div3A_245 : vector<16x1xf32> to vector<16x64xf32>
    %mul3A_247 = arith.mulf %exp3A_242, %mul3A_246 : vector<16x64xf32>
    %mul3A_248 = arith.mulf %dot_general3A_236, %mul3A_247 : vector<16x64xf32>
    %log3A_249 = math.log %broadcast_in_dim3A_234 : vector<16x1xf32>
    %add3A_250 = vector.broadcast %reduce_max3A_5 : f32 to vector<16x1xf32>
    %add3A_251 = arith.addf %log3A_249, %add3A_250 : vector<16x1xf32>
    %add3A_252 = arith.addf %add3A_221, %add3A_251 : vector<16x1xf32>
    %sub3A_253 = arith.constant 1 : i32
    %sub3A_254 = vector.broadcast %sub3A_253 : i32 to vector<16x1xi32>
    %sub3A_255 = arith.subi %get3A_9, %sub3A_254 : vector<16x1xi32>
    %eq3A_256 = arith.constant 8 : i32
    %eq3A_257 = vector.broadcast %eq3A_256 : i32 to vector<16x1xi32>
    %eq3A_258 = arith.cmpi eq, %sub3A_255, %eq3A_257 : vector<16x1xi32>
    %broadcast_in_dim3A_259 = vector.shape_cast %eq3A_258 : vector<16x1xi1> to vector<16x1xi1>
    %broadcast_in_dim3A_260 = vector.broadcast %broadcast_in_dim3A_259 : vector<16x1xi1> to vector<16x64xi1>
    %select_n3A_261 = arith.select %broadcast_in_dim3A_260, %mul3A_248, %select_n3A_230 : vector<16x64xi1>, vector<16x64xf32>
    %select_n3A_262 = arith.select %eq3A_258, %add3A_252, %select_n3A_231 : vector<16x1xi1>, vector<16x1xf32>
    %reduce_max3A_263 = arith.constant dense<0xFF800000> : vector<16xf32>
    %reduce_max3A_264 = vector.multi_reduction <maximumf>, %mul3A_248, %reduce_max3A_263 [1] : vector<16x64xf32> to vector<16xf32>
    %broadcast_in_dim3A_265 = vector.shape_cast %reduce_max3A_264 : vector<16xf32> to vector<16x1xf32>
    %dot_general3A_266 = arith.constant dense<0.000000e+00> : vector<16x64xf32>
    %dot_general3A_267 = tpu.matmul %mul3A_248, %exp3A, %dot_general3A_266 {dimension_numbers = #tpu.dot_dimension_numbers<[1], [0], [0], [1], [0, 0, 1, 1], [], []>, transpose_lhs_hint = false} : vector<16x64xf32>, vector<64x64xf32>, vector<16x64xf32> -> vector<16x64xf32>
    %get3A_268 = arith.constant 9 : index
    %get3A_269 = arith.constant 0 : index
    %get3A_270 = arith.constant 0 : index
    %get3A_271 = vector.load %arg0[%get3A_268, %get3A_269, %get3A_270] : memref<512x16x64xf32, #tpu.memory_space<vmem>>, vector<1x16x64xf32>
    %get3A_272 = vector.shape_cast %get3A_271 : vector<1x16x64xf32> to vector<16x64xf32>
    %exp3A_273 = math.exp %get3A_272 : vector<16x64xf32>
    %div3A_274 = arith.constant 1.000000e+00 : f32
    %div3A_275 = vector.broadcast %div3A_274 : f32 to vector<16x1xf32>
    %div3A_276 = arith.divf %div3A_275, %broadcast_in_dim3A_265 : vector<16x1xf32>
    %mul3A_277 = vector.broadcast %div3A_276 : vector<16x1xf32> to vector<16x64xf32>
    %mul3A_278 = arith.mulf %exp3A_273, %mul3A_277 : vector<16x64xf32>
    %mul3A_279 = arith.mulf %dot_general3A_267, %mul3A_278 : vector<16x64xf32>
    %log3A_280 = math.log %broadcast_in_dim3A_265 : vector<16x1xf32>
    %add3A_281 = vector.broadcast %reduce_max3A_5 : f32 to vector<16x1xf32>
    %add3A_282 = arith.addf %log3A_280, %add3A_281 : vector<16x1xf32>
    %add3A_283 = arith.addf %add3A_252, %add3A_282 : vector<16x1xf32>
    %sub3A_284 = arith.constant 1 : i32
    %sub3A_285 = vector.broadcast %sub3A_284 : i32 to vector<16x1xi32>
    %sub3A_286 = arith.subi %get3A_9, %sub3A_285 : vector<16x1xi32>
    %eq3A_287 = arith.constant 9 : i32
    %eq3A_288 = vector.broadcast %eq3A_287 : i32 to vector<16x1xi32>
    %eq3A_289 = arith.cmpi eq, %sub3A_286, %eq3A_288 : vector<16x1xi32>
    %broadcast_in_dim3A_290 = vector.shape_cast %eq3A_289 : vector<16x1xi1> to vector<16x1xi1>
    %broadcast_in_dim3A_291 = vector.broadcast %broadcast_in_dim3A_290 : vector<16x1xi1> to vector<16x64xi1>
    %select_n3A_292 = arith.select %broadcast_in_dim3A_291, %mul3A_279, %select_n3A_261 : vector<16x64xi1>, vector<16x64xf32>
    %select_n3A_293 = arith.select %eq3A_289, %add3A_283, %select_n3A_262 : vector<16x1xi1>, vector<16x1xf32>
    %reduce_max3A_294 = arith.constant dense<0xFF800000> : vector<16xf32>
    %reduce_max3A_295 = vector.multi_reduction <maximumf>, %mul3A_279, %reduce_max3A_294 [1] : vector<16x64xf32> to vector<16xf32>
    %broadcast_in_dim3A_296 = vector.shape_cast %reduce_max3A_295 : vector<16xf32> to vector<16x1xf32>
    %dot_general3A_297 = arith.constant dense<0.000000e+00> : vector<16x64xf32>
    %dot_general3A_298 = tpu.matmul %mul3A_279, %exp3A, %dot_general3A_297 {dimension_numbers = #tpu.dot_dimension_numbers<[1], [0], [0], [1], [0, 0, 1, 1], [], []>, transpose_lhs_hint = false} : vector<16x64xf32>, vector<64x64xf32>, vector<16x64xf32> -> vector<16x64xf32>
    %get3A_299 = arith.constant 10 : index
    %get3A_300 = arith.constant 0 : index
    %get3A_301 = arith.constant 0 : index
    %get3A_302 = vector.load %arg0[%get3A_299, %get3A_300, %get3A_301] : memref<512x16x64xf32, #tpu.memory_space<vmem>>, vector<1x16x64xf32>
    %get3A_303 = vector.shape_cast %get3A_302 : vector<1x16x64xf32> to vector<16x64xf32>
    %exp3A_304 = math.exp %get3A_303 : vector<16x64xf32>
    %div3A_305 = arith.constant 1.000000e+00 : f32
    %div3A_306 = vector.broadcast %div3A_305 : f32 to vector<16x1xf32>
    %div3A_307 = arith.divf %div3A_306, %broadcast_in_dim3A_296 : vector<16x1xf32>
    %mul3A_308 = vector.broadcast %div3A_307 : vector<16x1xf32> to vector<16x64xf32>
    %mul3A_309 = arith.mulf %exp3A_304, %mul3A_308 : vector<16x64xf32>
    %mul3A_310 = arith.mulf %dot_general3A_298, %mul3A_309 : vector<16x64xf32>
    %log3A_311 = math.log %broadcast_in_dim3A_296 : vector<16x1xf32>
    %add3A_312 = vector.broadcast %reduce_max3A_5 : f32 to vector<16x1xf32>
    %add3A_313 = arith.addf %log3A_311, %add3A_312 : vector<16x1xf32>
    %add3A_314 = arith.addf %add3A_283, %add3A_313 : vector<16x1xf32>
    %sub3A_315 = arith.constant 1 : i32
    %sub3A_316 = vector.broadcast %sub3A_315 : i32 to vector<16x1xi32>
    %sub3A_317 = arith.subi %get3A_9, %sub3A_316 : vector<16x1xi32>
    %eq3A_318 = arith.constant 10 : i32
    %eq3A_319 = vector.broadcast %eq3A_318 : i32 to vector<16x1xi32>
    %eq3A_320 = arith.cmpi eq, %sub3A_317, %eq3A_319 : vector<16x1xi32>
    %broadcast_in_dim3A_321 = vector.shape_cast %eq3A_320 : vector<16x1xi1> to vector<16x1xi1>
    %broadcast_in_dim3A_322 = vector.broadcast %broadcast_in_dim3A_321 : vector<16x1xi1> to vector<16x64xi1>
    %select_n3A_323 = arith.select %broadcast_in_dim3A_322, %mul3A_310, %select_n3A_292 : vector<16x64xi1>, vector<16x64xf32>
    %select_n3A_324 = arith.select %eq3A_320, %add3A_314, %select_n3A_293 : vector<16x1xi1>, vector<16x1xf32>
    %reduce_max3A_325 = arith.constant dense<0xFF800000> : vector<16xf32>
    %reduce_max3A_326 = vector.multi_reduction <maximumf>, %mul3A_310, %reduce_max3A_325 [1] : vector<16x64xf32> to vector<16xf32>
    %broadcast_in_dim3A_327 = vector.shape_cast %reduce_max3A_326 : vector<16xf32> to vector<16x1xf32>
    %dot_general3A_328 = arith.constant dense<0.000000e+00> : vector<16x64xf32>
    %dot_general3A_329 = tpu.matmul %mul3A_310, %exp3A, %dot_general3A_328 {dimension_numbers = #tpu.dot_dimension_numbers<[1], [0], [0], [1], [0, 0, 1, 1], [], []>, transpose_lhs_hint = false} : vector<16x64xf32>, vector<64x64xf32>, vector<16x64xf32> -> vector<16x64xf32>
    %get3A_330 = arith.constant 11 : index
    %get3A_331 = arith.constant 0 : index
    %get3A_332 = arith.constant 0 : index
    %get3A_333 = vector.load %arg0[%get3A_330, %get3A_331, %get3A_332] : memref<512x16x64xf32, #tpu.memory_space<vmem>>, vector<1x16x64xf32>
    %get3A_334 = vector.shape_cast %get3A_333 : vector<1x16x64xf32> to vector<16x64xf32>
    %exp3A_335 = math.exp %get3A_334 : vector<16x64xf32>
    %div3A_336 = arith.constant 1.000000e+00 : f32
    %div3A_337 = vector.broadcast %div3A_336 : f32 to vector<16x1xf32>
    %div3A_338 = arith.divf %div3A_337, %broadcast_in_dim3A_327 : vector<16x1xf32>
    %mul3A_339 = vector.broadcast %div3A_338 : vector<16x1xf32> to vector<16x64xf32>
    %mul3A_340 = arith.mulf %exp3A_335, %mul3A_339 : vector<16x64xf32>
    %mul3A_341 = arith.mulf %dot_general3A_329, %mul3A_340 : vector<16x64xf32>
    %log3A_342 = math.log %broadcast_in_dim3A_327 : vector<16x1xf32>
    %add3A_343 = vector.broadcast %reduce_max3A_5 : f32 to vector<16x1xf32>
    %add3A_344 = arith.addf %log3A_342, %add3A_343 : vector<16x1xf32>
    %add3A_345 = arith.addf %add3A_314, %add3A_344 : vector<16x1xf32>
    %sub3A_346 = arith.constant 1 : i32
    %sub3A_347 = vector.broadcast %sub3A_346 : i32 to vector<16x1xi32>
    %sub3A_348 = arith.subi %get3A_9, %sub3A_347 : vector<16x1xi32>
    %eq3A_349 = arith.constant 11 : i32
    %eq3A_350 = vector.broadcast %eq3A_349 : i32 to vector<16x1xi32>
    %eq3A_351 = arith.cmpi eq, %sub3A_348, %eq3A_350 : vector<16x1xi32>
    %broadcast_in_dim3A_352 = vector.shape_cast %eq3A_351 : vector<16x1xi1> to vector<16x1xi1>
    %broadcast_in_dim3A_353 = vector.broadcast %broadcast_in_dim3A_352 : vector<16x1xi1> to vector<16x64xi1>
    %select_n3A_354 = arith.select %broadcast_in_dim3A_353, %mul3A_341, %select_n3A_323 : vector<16x64xi1>, vector<16x64xf32>
    %select_n3A_355 = arith.select %eq3A_351, %add3A_345, %select_n3A_324 : vector<16x1xi1>, vector<16x1xf32>
    %reduce_max3A_356 = arith.constant dense<0xFF800000> : vector<16xf32>
    %reduce_max3A_357 = vector.multi_reduction <maximumf>, %mul3A_341, %reduce_max3A_356 [1] : vector<16x64xf32> to vector<16xf32>
    %broadcast_in_dim3A_358 = vector.shape_cast %reduce_max3A_357 : vector<16xf32> to vector<16x1xf32>
    %dot_general3A_359 = arith.constant dense<0.000000e+00> : vector<16x64xf32>
    %dot_general3A_360 = tpu.matmul %mul3A_341, %exp3A, %dot_general3A_359 {dimension_numbers = #tpu.dot_dimension_numbers<[1], [0], [0], [1], [0, 0, 1, 1], [], []>, transpose_lhs_hint = false} : vector<16x64xf32>, vector<64x64xf32>, vector<16x64xf32> -> vector<16x64xf32>
    %get3A_361 = arith.constant 12 : index
    %get3A_362 = arith.constant 0 : index
    %get3A_363 = arith.constant 0 : index
    %get3A_364 = vector.load %arg0[%get3A_361, %get3A_362, %get3A_363] : memref<512x16x64xf32, #tpu.memory_space<vmem>>, vector<1x16x64xf32>
    %get3A_365 = vector.shape_cast %get3A_364 : vector<1x16x64xf32> to vector<16x64xf32>
    %exp3A_366 = math.exp %get3A_365 : vector<16x64xf32>
    %div3A_367 = arith.constant 1.000000e+00 : f32
    %div3A_368 = vector.broadcast %div3A_367 : f32 to vector<16x1xf32>
    %div3A_369 = arith.divf %div3A_368, %broadcast_in_dim3A_358 : vector<16x1xf32>
    %mul3A_370 = vector.broadcast %div3A_369 : vector<16x1xf32> to vector<16x64xf32>
    %mul3A_371 = arith.mulf %exp3A_366, %mul3A_370 : vector<16x64xf32>
    %mul3A_372 = arith.mulf %dot_general3A_360, %mul3A_371 : vector<16x64xf32>
    %log3A_373 = math.log %broadcast_in_dim3A_358 : vector<16x1xf32>
    %add3A_374 = vector.broadcast %reduce_max3A_5 : f32 to vector<16x1xf32>
    %add3A_375 = arith.addf %log3A_373, %add3A_374 : vector<16x1xf32>
    %add3A_376 = arith.addf %add3A_345, %add3A_375 : vector<16x1xf32>
    %sub3A_377 = arith.constant 1 : i32
    %sub3A_378 = vector.broadcast %sub3A_377 : i32 to vector<16x1xi32>
    %sub3A_379 = arith.subi %get3A_9, %sub3A_378 : vector<16x1xi32>
    %eq3A_380 = arith.constant 12 : i32
    %eq3A_381 = vector.broadcast %eq3A_380 : i32 to vector<16x1xi32>
    %eq3A_382 = arith.cmpi eq, %sub3A_379, %eq3A_381 : vector<16x1xi32>
    %broadcast_in_dim3A_383 = vector.shape_cast %eq3A_382 : vector<16x1xi1> to vector<16x1xi1>
    %broadcast_in_dim3A_384 = vector.broadcast %broadcast_in_dim3A_383 : vector<16x1xi1> to vector<16x64xi1>
    %select_n3A_385 = arith.select %broadcast_in_dim3A_384, %mul3A_372, %select_n3A_354 : vector<16x64xi1>, vector<16x64xf32>
    %select_n3A_386 = arith.select %eq3A_382, %add3A_376, %select_n3A_355 : vector<16x1xi1>, vector<16x1xf32>
    %reduce_max3A_387 = arith.constant dense<0xFF800000> : vector<16xf32>
    %reduce_max3A_388 = vector.multi_reduction <maximumf>, %mul3A_372, %reduce_max3A_387 [1] : vector<16x64xf32> to vector<16xf32>
    %broadcast_in_dim3A_389 = vector.shape_cast %reduce_max3A_388 : vector<16xf32> to vector<16x1xf32>
    %dot_general3A_390 = arith.constant dense<0.000000e+00> : vector<16x64xf32>
    %dot_general3A_391 = tpu.matmul %mul3A_372, %exp3A, %dot_general3A_390 {dimension_numbers = #tpu.dot_dimension_numbers<[1], [0], [0], [1], [0, 0, 1, 1], [], []>, transpose_lhs_hint = false} : vector<16x64xf32>, vector<64x64xf32>, vector<16x64xf32> -> vector<16x64xf32>
    %get3A_392 = arith.constant 13 : index
    %get3A_393 = arith.constant 0 : index
    %get3A_394 = arith.constant 0 : index
    %get3A_395 = vector.load %arg0[%get3A_392, %get3A_393, %get3A_394] : memref<512x16x64xf32, #tpu.memory_space<vmem>>, vector<1x16x64xf32>
    %get3A_396 = vector.shape_cast %get3A_395 : vector<1x16x64xf32> to vector<16x64xf32>
    %exp3A_397 = math.exp %get3A_396 : vector<16x64xf32>
    %div3A_398 = arith.constant 1.000000e+00 : f32
    %div3A_399 = vector.broadcast %div3A_398 : f32 to vector<16x1xf32>
    %div3A_400 = arith.divf %div3A_399, %broadcast_in_dim3A_389 : vector<16x1xf32>
    %mul3A_401 = vector.broadcast %div3A_400 : vector<16x1xf32> to vector<16x64xf32>
    %mul3A_402 = arith.mulf %exp3A_397, %mul3A_401 : vector<16x64xf32>
    %mul3A_403 = arith.mulf %dot_general3A_391, %mul3A_402 : vector<16x64xf32>
    %log3A_404 = math.log %broadcast_in_dim3A_389 : vector<16x1xf32>
    %add3A_405 = vector.broadcast %reduce_max3A_5 : f32 to vector<16x1xf32>
    %add3A_406 = arith.addf %log3A_404, %add3A_405 : vector<16x1xf32>
    %add3A_407 = arith.addf %add3A_376, %add3A_406 : vector<16x1xf32>
    %sub3A_408 = arith.constant 1 : i32
    %sub3A_409 = vector.broadcast %sub3A_408 : i32 to vector<16x1xi32>
    %sub3A_410 = arith.subi %get3A_9, %sub3A_409 : vector<16x1xi32>
    %eq3A_411 = arith.constant 13 : i32
    %eq3A_412 = vector.broadcast %eq3A_411 : i32 to vector<16x1xi32>
    %eq3A_413 = arith.cmpi eq, %sub3A_410, %eq3A_412 : vector<16x1xi32>
    %broadcast_in_dim3A_414 = vector.shape_cast %eq3A_413 : vector<16x1xi1> to vector<16x1xi1>
    %broadcast_in_dim3A_415 = vector.broadcast %broadcast_in_dim3A_414 : vector<16x1xi1> to vector<16x64xi1>
    %select_n3A_416 = arith.select %broadcast_in_dim3A_415, %mul3A_403, %select_n3A_385 : vector<16x64xi1>, vector<16x64xf32>
    %select_n3A_417 = arith.select %eq3A_413, %add3A_407, %select_n3A_386 : vector<16x1xi1>, vector<16x1xf32>
    %reduce_max3A_418 = arith.constant dense<0xFF800000> : vector<16xf32>
    %reduce_max3A_419 = vector.multi_reduction <maximumf>, %mul3A_403, %reduce_max3A_418 [1] : vector<16x64xf32> to vector<16xf32>
    %broadcast_in_dim3A_420 = vector.shape_cast %reduce_max3A_419 : vector<16xf32> to vector<16x1xf32>
    %dot_general3A_421 = arith.constant dense<0.000000e+00> : vector<16x64xf32>
    %dot_general3A_422 = tpu.matmul %mul3A_403, %exp3A, %dot_general3A_421 {dimension_numbers = #tpu.dot_dimension_numbers<[1], [0], [0], [1], [0, 0, 1, 1], [], []>, transpose_lhs_hint = false} : vector<16x64xf32>, vector<64x64xf32>, vector<16x64xf32> -> vector<16x64xf32>
    %get3A_423 = arith.constant 14 : index
    %get3A_424 = arith.constant 0 : index
    %get3A_425 = arith.constant 0 : index
    %get3A_426 = vector.load %arg0[%get3A_423, %get3A_424, %get3A_425] : memref<512x16x64xf32, #tpu.memory_space<vmem>>, vector<1x16x64xf32>
    %get3A_427 = vector.shape_cast %get3A_426 : vector<1x16x64xf32> to vector<16x64xf32>
    %exp3A_428 = math.exp %get3A_427 : vector<16x64xf32>
    %div3A_429 = arith.constant 1.000000e+00 : f32
    %div3A_430 = vector.broadcast %div3A_429 : f32 to vector<16x1xf32>
    %div3A_431 = arith.divf %div3A_430, %broadcast_in_dim3A_420 : vector<16x1xf32>
    %mul3A_432 = vector.broadcast %div3A_431 : vector<16x1xf32> to vector<16x64xf32>
    %mul3A_433 = arith.mulf %exp3A_428, %mul3A_432 : vector<16x64xf32>
    %mul3A_434 = arith.mulf %dot_general3A_422, %mul3A_433 : vector<16x64xf32>
    %log3A_435 = math.log %broadcast_in_dim3A_420 : vector<16x1xf32>
    %add3A_436 = vector.broadcast %reduce_max3A_5 : f32 to vector<16x1xf32>
    %add3A_437 = arith.addf %log3A_435, %add3A_436 : vector<16x1xf32>
    %add3A_438 = arith.addf %add3A_407, %add3A_437 : vector<16x1xf32>
    %sub3A_439 = arith.constant 1 : i32
    %sub3A_440 = vector.broadcast %sub3A_439 : i32 to vector<16x1xi32>
    %sub3A_441 = arith.subi %get3A_9, %sub3A_440 : vector<16x1xi32>
    %eq3A_442 = arith.constant 14 : i32
    %eq3A_443 = vector.broadcast %eq3A_442 : i32 to vector<16x1xi32>
    %eq3A_444 = arith.cmpi eq, %sub3A_441, %eq3A_443 : vector<16x1xi32>
    %broadcast_in_dim3A_445 = vector.shape_cast %eq3A_444 : vector<16x1xi1> to vector<16x1xi1>
    %broadcast_in_dim3A_446 = vector.broadcast %broadcast_in_dim3A_445 : vector<16x1xi1> to vector<16x64xi1>
    %select_n3A_447 = arith.select %broadcast_in_dim3A_446, %mul3A_434, %select_n3A_416 : vector<16x64xi1>, vector<16x64xf32>
    %select_n3A_448 = arith.select %eq3A_444, %add3A_438, %select_n3A_417 : vector<16x1xi1>, vector<16x1xf32>
    %reduce_max3A_449 = arith.constant dense<0xFF800000> : vector<16xf32>
    %reduce_max3A_450 = vector.multi_reduction <maximumf>, %mul3A_434, %reduce_max3A_449 [1] : vector<16x64xf32> to vector<16xf32>
    %broadcast_in_dim3A_451 = vector.shape_cast %reduce_max3A_450 : vector<16xf32> to vector<16x1xf32>
    %dot_general3A_452 = arith.constant dense<0.000000e+00> : vector<16x64xf32>
    %dot_general3A_453 = tpu.matmul %mul3A_434, %exp3A, %dot_general3A_452 {dimension_numbers = #tpu.dot_dimension_numbers<[1], [0], [0], [1], [0, 0, 1, 1], [], []>, transpose_lhs_hint = false} : vector<16x64xf32>, vector<64x64xf32>, vector<16x64xf32> -> vector<16x64xf32>
    %get3A_454 = arith.constant 15 : index
    %get3A_455 = arith.constant 0 : index
    %get3A_456 = arith.constant 0 : index
    %get3A_457 = vector.load %arg0[%get3A_454, %get3A_455, %get3A_456] : memref<512x16x64xf32, #tpu.memory_space<vmem>>, vector<1x16x64xf32>
    %get3A_458 = vector.shape_cast %get3A_457 : vector<1x16x64xf32> to vector<16x64xf32>
    %exp3A_459 = math.exp %get3A_458 : vector<16x64xf32>
    %div3A_460 = arith.constant 1.000000e+00 : f32
    %div3A_461 = vector.broadcast %div3A_460 : f32 to vector<16x1xf32>
    %div3A_462 = arith.divf %div3A_461, %broadcast_in_dim3A_451 : vector<16x1xf32>
    %mul3A_463 = vector.broadcast %div3A_462 : vector<16x1xf32> to vector<16x64xf32>
    %mul3A_464 = arith.mulf %exp3A_459, %mul3A_463 : vector<16x64xf32>
    %mul3A_465 = arith.mulf %dot_general3A_453, %mul3A_464 : vector<16x64xf32>
    %log3A_466 = math.log %broadcast_in_dim3A_451 : vector<16x1xf32>
    %add3A_467 = vector.broadcast %reduce_max3A_5 : f32 to vector<16x1xf32>
    %add3A_468 = arith.addf %log3A_466, %add3A_467 : vector<16x1xf32>
    %add3A_469 = arith.addf %add3A_438, %add3A_468 : vector<16x1xf32>
    %sub3A_470 = arith.constant 1 : i32
    %sub3A_471 = vector.broadcast %sub3A_470 : i32 to vector<16x1xi32>
    %sub3A_472 = arith.subi %get3A_9, %sub3A_471 : vector<16x1xi32>
    %eq3A_473 = arith.constant 15 : i32
    %eq3A_474 = vector.broadcast %eq3A_473 : i32 to vector<16x1xi32>
    %eq3A_475 = arith.cmpi eq, %sub3A_472, %eq3A_474 : vector<16x1xi32>
    %broadcast_in_dim3A_476 = vector.shape_cast %eq3A_475 : vector<16x1xi1> to vector<16x1xi1>
    %broadcast_in_dim3A_477 = vector.broadcast %broadcast_in_dim3A_476 : vector<16x1xi1> to vector<16x64xi1>
    %select_n3A_478 = arith.select %broadcast_in_dim3A_477, %mul3A_465, %select_n3A_447 : vector<16x64xi1>, vector<16x64xf32>
    %select_n3A_479 = arith.select %eq3A_475, %add3A_469, %select_n3A_448 : vector<16x1xi1>, vector<16x1xf32>
    %reduce_max3A_480 = arith.constant dense<0xFF800000> : vector<16xf32>
    %reduce_max3A_481 = vector.multi_reduction <maximumf>, %mul3A_465, %reduce_max3A_480 [1] : vector<16x64xf32> to vector<16xf32>
    %broadcast_in_dim3A_482 = vector.shape_cast %reduce_max3A_481 : vector<16xf32> to vector<16x1xf32>
    %scan3A = arith.constant 1 : i32
    %scan3A_483 = arith.constant 31 : i32
    %scan3A_484 = arith.addi %scan3A, %scan3A_483 : i32
    %scan3A_485 = arith.constant 1 : i32
    %scan3A_486:5 = scf.for %scan3A_506 = %scan3A to %scan3A_484 step %scan3A_485 iter_args(%scan3A_507 = %mul3A_465, %scan3A_508 = %broadcast_in_dim3A_482, %scan3A_509 = %add3A_469, %scan3A_510 = %select_n3A_478, %scan3A_511 = %select_n3A_479) -> (vector<16x64xf32>, vector<16x1xf32>, vector<16x1xf32>, vector<16x64xf32>, vector<16x1xf32>)  : i32 {
      %mul3A_512 = arith.constant 16 : i32
      %mul3A_513 = arith.muli %mul3A_512, %scan3A_506 : i32
      %add3A_514 = arith.constant 0 : i32
      %add3A_515 = arith.addi %mul3A_513, %add3A_514 : i32
      %dot_general3A_516 = arith.constant dense<0.000000e+00> : vector<16x64xf32>
      %dot_general3A_517 = tpu.matmul %scan3A_507, %exp3A, %dot_general3A_516 {dimension_numbers = #tpu.dot_dimension_numbers<[1], [0], [0], [1], [0, 0, 1, 1], [], []>, transpose_lhs_hint = false} : vector<16x64xf32>, vector<64x64xf32>, vector<16x64xf32> -> vector<16x64xf32>
      %get3A_518 = arith.index_cast %add3A_515 : i32 to index
      %get3A_519 = arith.constant 0 : index
      %get3A_520 = arith.constant 0 : index
      %get3A_521 = vector.load %arg0[%get3A_518, %get3A_519, %get3A_520] : memref<512x16x64xf32, #tpu.memory_space<vmem>>, vector<1x16x64xf32>
      %get3A_522 = vector.shape_cast %get3A_521 : vector<1x16x64xf32> to vector<16x64xf32>
      %exp3A_523 = math.exp %get3A_522 : vector<16x64xf32>
      %div3A_524 = arith.constant 1.000000e+00 : f32
      %div3A_525 = vector.broadcast %div3A_524 : f32 to vector<16x1xf32>
      %div3A_526 = arith.divf %div3A_525, %scan3A_508 : vector<16x1xf32>
      %mul3A_527 = vector.broadcast %div3A_526 : vector<16x1xf32> to vector<16x64xf32>
      %mul3A_528 = arith.mulf %exp3A_523, %mul3A_527 : vector<16x64xf32>
      %mul3A_529 = arith.mulf %dot_general3A_517, %mul3A_528 : vector<16x64xf32>
      %log3A_530 = math.log %scan3A_508 : vector<16x1xf32>
      %add3A_531 = vector.broadcast %reduce_max3A_5 : f32 to vector<16x1xf32>
      %add3A_532 = arith.addf %log3A_530, %add3A_531 : vector<16x1xf32>
      %add3A_533 = arith.addf %scan3A_509, %add3A_532 : vector<16x1xf32>
      %sub3A_534 = arith.constant 1 : i32
      %sub3A_535 = vector.broadcast %sub3A_534 : i32 to vector<16x1xi32>
      %sub3A_536 = arith.subi %get3A_9, %sub3A_535 : vector<16x1xi32>
      %eq3A_537 = vector.broadcast %add3A_515 : i32 to vector<16x1xi32>
      %eq3A_538 = arith.cmpi eq, %sub3A_536, %eq3A_537 : vector<16x1xi32>
      %broadcast_in_dim3A_539 = vector.shape_cast %eq3A_538 : vector<16x1xi1> to vector<16x1xi1>
      %broadcast_in_dim3A_540 = vector.broadcast %broadcast_in_dim3A_539 : vector<16x1xi1> to vector<16x64xi1>
      %select_n3A_541 = arith.select %broadcast_in_dim3A_540, %mul3A_529, %scan3A_510 : vector<16x64xi1>, vector<16x64xf32>
      %select_n3A_542 = arith.select %eq3A_538, %add3A_533, %scan3A_511 : vector<16x1xi1>, vector<16x1xf32>
      %reduce_max3A_543 = arith.constant dense<0xFF800000> : vector<16xf32>
      %reduce_max3A_544 = vector.multi_reduction <maximumf>, %mul3A_529, %reduce_max3A_543 [1] : vector<16x64xf32> to vector<16xf32>
      %broadcast_in_dim3A_545 = vector.shape_cast %reduce_max3A_544 : vector<16xf32> to vector<16x1xf32>
      %mul3A_546 = arith.constant 16 : i32
      %mul3A_547 = arith.muli %mul3A_546, %scan3A_506 : i32
      %add3A_548 = arith.constant 1 : i32
      %add3A_549 = arith.addi %mul3A_547, %add3A_548 : i32
      %dot_general3A_550 = arith.constant dense<0.000000e+00> : vector<16x64xf32>
      %dot_general3A_551 = tpu.matmul %mul3A_529, %exp3A, %dot_general3A_550 {dimension_numbers = #tpu.dot_dimension_numbers<[1], [0], [0], [1], [0, 0, 1, 1], [], []>, transpose_lhs_hint = false} : vector<16x64xf32>, vector<64x64xf32>, vector<16x64xf32> -> vector<16x64xf32>
      %get3A_552 = arith.index_cast %add3A_549 : i32 to index
      %get3A_553 = arith.constant 0 : index
      %get3A_554 = arith.constant 0 : index
      %get3A_555 = vector.load %arg0[%get3A_552, %get3A_553, %get3A_554] : memref<512x16x64xf32, #tpu.memory_space<vmem>>, vector<1x16x64xf32>
      %get3A_556 = vector.shape_cast %get3A_555 : vector<1x16x64xf32> to vector<16x64xf32>
      %exp3A_557 = math.exp %get3A_556 : vector<16x64xf32>
      %div3A_558 = arith.constant 1.000000e+00 : f32
      %div3A_559 = vector.broadcast %div3A_558 : f32 to vector<16x1xf32>
      %div3A_560 = arith.divf %div3A_559, %broadcast_in_dim3A_545 : vector<16x1xf32>
      %mul3A_561 = vector.broadcast %div3A_560 : vector<16x1xf32> to vector<16x64xf32>
      %mul3A_562 = arith.mulf %exp3A_557, %mul3A_561 : vector<16x64xf32>
      %mul3A_563 = arith.mulf %dot_general3A_551, %mul3A_562 : vector<16x64xf32>
      %log3A_564 = math.log %broadcast_in_dim3A_545 : vector<16x1xf32>
      %add3A_565 = vector.broadcast %reduce_max3A_5 : f32 to vector<16x1xf32>
      %add3A_566 = arith.addf %log3A_564, %add3A_565 : vector<16x1xf32>
      %add3A_567 = arith.addf %add3A_533, %add3A_566 : vector<16x1xf32>
      %sub3A_568 = arith.constant 1 : i32
      %sub3A_569 = vector.broadcast %sub3A_568 : i32 to vector<16x1xi32>
      %sub3A_570 = arith.subi %get3A_9, %sub3A_569 : vector<16x1xi32>
      %eq3A_571 = vector.broadcast %add3A_549 : i32 to vector<16x1xi32>
      %eq3A_572 = arith.cmpi eq, %sub3A_570, %eq3A_571 : vector<16x1xi32>
      %broadcast_in_dim3A_573 = vector.shape_cast %eq3A_572 : vector<16x1xi1> to vector<16x1xi1>
      %broadcast_in_dim3A_574 = vector.broadcast %broadcast_in_dim3A_573 : vector<16x1xi1> to vector<16x64xi1>
      %select_n3A_575 = arith.select %broadcast_in_dim3A_574, %mul3A_563, %select_n3A_541 : vector<16x64xi1>, vector<16x64xf32>
      %select_n3A_576 = arith.select %eq3A_572, %add3A_567, %select_n3A_542 : vector<16x1xi1>, vector<16x1xf32>
      %reduce_max3A_577 = arith.constant dense<0xFF800000> : vector<16xf32>
      %reduce_max3A_578 = vector.multi_reduction <maximumf>, %mul3A_563, %reduce_max3A_577 [1] : vector<16x64xf32> to vector<16xf32>
      %broadcast_in_dim3A_579 = vector.shape_cast %reduce_max3A_578 : vector<16xf32> to vector<16x1xf32>
      %mul3A_580 = arith.constant 16 : i32
      %mul3A_581 = arith.muli %mul3A_580, %scan3A_506 : i32
      %add3A_582 = arith.constant 2 : i32
      %add3A_583 = arith.addi %mul3A_581, %add3A_582 : i32
      %dot_general3A_584 = arith.constant dense<0.000000e+00> : vector<16x64xf32>
      %dot_general3A_585 = tpu.matmul %mul3A_563, %exp3A, %dot_general3A_584 {dimension_numbers = #tpu.dot_dimension_numbers<[1], [0], [0], [1], [0, 0, 1, 1], [], []>, transpose_lhs_hint = false} : vector<16x64xf32>, vector<64x64xf32>, vector<16x64xf32> -> vector<16x64xf32>
      %get3A_586 = arith.index_cast %add3A_583 : i32 to index
      %get3A_587 = arith.constant 0 : index
      %get3A_588 = arith.constant 0 : index
      %get3A_589 = vector.load %arg0[%get3A_586, %get3A_587, %get3A_588] : memref<512x16x64xf32, #tpu.memory_space<vmem>>, vector<1x16x64xf32>
      %get3A_590 = vector.shape_cast %get3A_589 : vector<1x16x64xf32> to vector<16x64xf32>
      %exp3A_591 = math.exp %get3A_590 : vector<16x64xf32>
      %div3A_592 = arith.constant 1.000000e+00 : f32
      %div3A_593 = vector.broadcast %div3A_592 : f32 to vector<16x1xf32>
      %div3A_594 = arith.divf %div3A_593, %broadcast_in_dim3A_579 : vector<16x1xf32>
      %mul3A_595 = vector.broadcast %div3A_594 : vector<16x1xf32> to vector<16x64xf32>
      %mul3A_596 = arith.mulf %exp3A_591, %mul3A_595 : vector<16x64xf32>
      %mul3A_597 = arith.mulf %dot_general3A_585, %mul3A_596 : vector<16x64xf32>
      %log3A_598 = math.log %broadcast_in_dim3A_579 : vector<16x1xf32>
      %add3A_599 = vector.broadcast %reduce_max3A_5 : f32 to vector<16x1xf32>
      %add3A_600 = arith.addf %log3A_598, %add3A_599 : vector<16x1xf32>
      %add3A_601 = arith.addf %add3A_567, %add3A_600 : vector<16x1xf32>
      %sub3A_602 = arith.constant 1 : i32
      %sub3A_603 = vector.broadcast %sub3A_602 : i32 to vector<16x1xi32>
      %sub3A_604 = arith.subi %get3A_9, %sub3A_603 : vector<16x1xi32>
      %eq3A_605 = vector.broadcast %add3A_583 : i32 to vector<16x1xi32>
      %eq3A_606 = arith.cmpi eq, %sub3A_604, %eq3A_605 : vector<16x1xi32>
      %broadcast_in_dim3A_607 = vector.shape_cast %eq3A_606 : vector<16x1xi1> to vector<16x1xi1>
      %broadcast_in_dim3A_608 = vector.broadcast %broadcast_in_dim3A_607 : vector<16x1xi1> to vector<16x64xi1>
      %select_n3A_609 = arith.select %broadcast_in_dim3A_608, %mul3A_597, %select_n3A_575 : vector<16x64xi1>, vector<16x64xf32>
      %select_n3A_610 = arith.select %eq3A_606, %add3A_601, %select_n3A_576 : vector<16x1xi1>, vector<16x1xf32>
      %reduce_max3A_611 = arith.constant dense<0xFF800000> : vector<16xf32>
      %reduce_max3A_612 = vector.multi_reduction <maximumf>, %mul3A_597, %reduce_max3A_611 [1] : vector<16x64xf32> to vector<16xf32>
      %broadcast_in_dim3A_613 = vector.shape_cast %reduce_max3A_612 : vector<16xf32> to vector<16x1xf32>
      %mul3A_614 = arith.constant 16 : i32
      %mul3A_615 = arith.muli %mul3A_614, %scan3A_506 : i32
      %add3A_616 = arith.constant 3 : i32
      %add3A_617 = arith.addi %mul3A_615, %add3A_616 : i32
      %dot_general3A_618 = arith.constant dense<0.000000e+00> : vector<16x64xf32>
      %dot_general3A_619 = tpu.matmul %mul3A_597, %exp3A, %dot_general3A_618 {dimension_numbers = #tpu.dot_dimension_numbers<[1], [0], [0], [1], [0, 0, 1, 1], [], []>, transpose_lhs_hint = false} : vector<16x64xf32>, vector<64x64xf32>, vector<16x64xf32> -> vector<16x64xf32>
      %get3A_620 = arith.index_cast %add3A_617 : i32 to index
      %get3A_621 = arith.constant 0 : index
      %get3A_622 = arith.constant 0 : index
      %get3A_623 = vector.load %arg0[%get3A_620, %get3A_621, %get3A_622] : memref<512x16x64xf32, #tpu.memory_space<vmem>>, vector<1x16x64xf32>
      %get3A_624 = vector.shape_cast %get3A_623 : vector<1x16x64xf32> to vector<16x64xf32>
      %exp3A_625 = math.exp %get3A_624 : vector<16x64xf32>
      %div3A_626 = arith.constant 1.000000e+00 : f32
      %div3A_627 = vector.broadcast %div3A_626 : f32 to vector<16x1xf32>
      %div3A_628 = arith.divf %div3A_627, %broadcast_in_dim3A_613 : vector<16x1xf32>
      %mul3A_629 = vector.broadcast %div3A_628 : vector<16x1xf32> to vector<16x64xf32>
      %mul3A_630 = arith.mulf %exp3A_625, %mul3A_629 : vector<16x64xf32>
      %mul3A_631 = arith.mulf %dot_general3A_619, %mul3A_630 : vector<16x64xf32>
      %log3A_632 = math.log %broadcast_in_dim3A_613 : vector<16x1xf32>
      %add3A_633 = vector.broadcast %reduce_max3A_5 : f32 to vector<16x1xf32>
      %add3A_634 = arith.addf %log3A_632, %add3A_633 : vector<16x1xf32>
      %add3A_635 = arith.addf %add3A_601, %add3A_634 : vector<16x1xf32>
      %sub3A_636 = arith.constant 1 : i32
      %sub3A_637 = vector.broadcast %sub3A_636 : i32 to vector<16x1xi32>
      %sub3A_638 = arith.subi %get3A_9, %sub3A_637 : vector<16x1xi32>
      %eq3A_639 = vector.broadcast %add3A_617 : i32 to vector<16x1xi32>
      %eq3A_640 = arith.cmpi eq, %sub3A_638, %eq3A_639 : vector<16x1xi32>
      %broadcast_in_dim3A_641 = vector.shape_cast %eq3A_640 : vector<16x1xi1> to vector<16x1xi1>
      %broadcast_in_dim3A_642 = vector.broadcast %broadcast_in_dim3A_641 : vector<16x1xi1> to vector<16x64xi1>
      %select_n3A_643 = arith.select %broadcast_in_dim3A_642, %mul3A_631, %select_n3A_609 : vector<16x64xi1>, vector<16x64xf32>
      %select_n3A_644 = arith.select %eq3A_640, %add3A_635, %select_n3A_610 : vector<16x1xi1>, vector<16x1xf32>
      %reduce_max3A_645 = arith.constant dense<0xFF800000> : vector<16xf32>
      %reduce_max3A_646 = vector.multi_reduction <maximumf>, %mul3A_631, %reduce_max3A_645 [1] : vector<16x64xf32> to vector<16xf32>
      %broadcast_in_dim3A_647 = vector.shape_cast %reduce_max3A_646 : vector<16xf32> to vector<16x1xf32>
      %mul3A_648 = arith.constant 16 : i32
      %mul3A_649 = arith.muli %mul3A_648, %scan3A_506 : i32
      %add3A_650 = arith.constant 4 : i32
      %add3A_651 = arith.addi %mul3A_649, %add3A_650 : i32
      %dot_general3A_652 = arith.constant dense<0.000000e+00> : vector<16x64xf32>
      %dot_general3A_653 = tpu.matmul %mul3A_631, %exp3A, %dot_general3A_652 {dimension_numbers = #tpu.dot_dimension_numbers<[1], [0], [0], [1], [0, 0, 1, 1], [], []>, transpose_lhs_hint = false} : vector<16x64xf32>, vector<64x64xf32>, vector<16x64xf32> -> vector<16x64xf32>
      %get3A_654 = arith.index_cast %add3A_651 : i32 to index
      %get3A_655 = arith.constant 0 : index
      %get3A_656 = arith.constant 0 : index
      %get3A_657 = vector.load %arg0[%get3A_654, %get3A_655, %get3A_656] : memref<512x16x64xf32, #tpu.memory_space<vmem>>, vector<1x16x64xf32>
      %get3A_658 = vector.shape_cast %get3A_657 : vector<1x16x64xf32> to vector<16x64xf32>
      %exp3A_659 = math.exp %get3A_658 : vector<16x64xf32>
      %div3A_660 = arith.constant 1.000000e+00 : f32
      %div3A_661 = vector.broadcast %div3A_660 : f32 to vector<16x1xf32>
      %div3A_662 = arith.divf %div3A_661, %broadcast_in_dim3A_647 : vector<16x1xf32>
      %mul3A_663 = vector.broadcast %div3A_662 : vector<16x1xf32> to vector<16x64xf32>
      %mul3A_664 = arith.mulf %exp3A_659, %mul3A_663 : vector<16x64xf32>
      %mul3A_665 = arith.mulf %dot_general3A_653, %mul3A_664 : vector<16x64xf32>
      %log3A_666 = math.log %broadcast_in_dim3A_647 : vector<16x1xf32>
      %add3A_667 = vector.broadcast %reduce_max3A_5 : f32 to vector<16x1xf32>
      %add3A_668 = arith.addf %log3A_666, %add3A_667 : vector<16x1xf32>
      %add3A_669 = arith.addf %add3A_635, %add3A_668 : vector<16x1xf32>
      %sub3A_670 = arith.constant 1 : i32
      %sub3A_671 = vector.broadcast %sub3A_670 : i32 to vector<16x1xi32>
      %sub3A_672 = arith.subi %get3A_9, %sub3A_671 : vector<16x1xi32>
      %eq3A_673 = vector.broadcast %add3A_651 : i32 to vector<16x1xi32>
      %eq3A_674 = arith.cmpi eq, %sub3A_672, %eq3A_673 : vector<16x1xi32>
      %broadcast_in_dim3A_675 = vector.shape_cast %eq3A_674 : vector<16x1xi1> to vector<16x1xi1>
      %broadcast_in_dim3A_676 = vector.broadcast %broadcast_in_dim3A_675 : vector<16x1xi1> to vector<16x64xi1>
      %select_n3A_677 = arith.select %broadcast_in_dim3A_676, %mul3A_665, %select_n3A_643 : vector<16x64xi1>, vector<16x64xf32>
      %select_n3A_678 = arith.select %eq3A_674, %add3A_669, %select_n3A_644 : vector<16x1xi1>, vector<16x1xf32>
      %reduce_max3A_679 = arith.constant dense<0xFF800000> : vector<16xf32>
      %reduce_max3A_680 = vector.multi_reduction <maximumf>, %mul3A_665, %reduce_max3A_679 [1] : vector<16x64xf32> to vector<16xf32>
      %broadcast_in_dim3A_681 = vector.shape_cast %reduce_max3A_680 : vector<16xf32> to vector<16x1xf32>
      %mul3A_682 = arith.constant 16 : i32
      %mul3A_683 = arith.muli %mul3A_682, %scan3A_506 : i32
      %add3A_684 = arith.constant 5 : i32
      %add3A_685 = arith.addi %mul3A_683, %add3A_684 : i32
      %dot_general3A_686 = arith.constant dense<0.000000e+00> : vector<16x64xf32>
      %dot_general3A_687 = tpu.matmul %mul3A_665, %exp3A, %dot_general3A_686 {dimension_numbers = #tpu.dot_dimension_numbers<[1], [0], [0], [1], [0, 0, 1, 1], [], []>, transpose_lhs_hint = false} : vector<16x64xf32>, vector<64x64xf32>, vector<16x64xf32> -> vector<16x64xf32>
      %get3A_688 = arith.index_cast %add3A_685 : i32 to index
      %get3A_689 = arith.constant 0 : index
      %get3A_690 = arith.constant 0 : index
      %get3A_691 = vector.load %arg0[%get3A_688, %get3A_689, %get3A_690] : memref<512x16x64xf32, #tpu.memory_space<vmem>>, vector<1x16x64xf32>
      %get3A_692 = vector.shape_cast %get3A_691 : vector<1x16x64xf32> to vector<16x64xf32>
      %exp3A_693 = math.exp %get3A_692 : vector<16x64xf32>
      %div3A_694 = arith.constant 1.000000e+00 : f32
      %div3A_695 = vector.broadcast %div3A_694 : f32 to vector<16x1xf32>
      %div3A_696 = arith.divf %div3A_695, %broadcast_in_dim3A_681 : vector<16x1xf32>
      %mul3A_697 = vector.broadcast %div3A_696 : vector<16x1xf32> to vector<16x64xf32>
      %mul3A_698 = arith.mulf %exp3A_693, %mul3A_697 : vector<16x64xf32>
      %mul3A_699 = arith.mulf %dot_general3A_687, %mul3A_698 : vector<16x64xf32>
      %log3A_700 = math.log %broadcast_in_dim3A_681 : vector<16x1xf32>
      %add3A_701 = vector.broadcast %reduce_max3A_5 : f32 to vector<16x1xf32>
      %add3A_702 = arith.addf %log3A_700, %add3A_701 : vector<16x1xf32>
      %add3A_703 = arith.addf %add3A_669, %add3A_702 : vector<16x1xf32>
      %sub3A_704 = arith.constant 1 : i32
      %sub3A_705 = vector.broadcast %sub3A_704 : i32 to vector<16x1xi32>
      %sub3A_706 = arith.subi %get3A_9, %sub3A_705 : vector<16x1xi32>
      %eq3A_707 = vector.broadcast %add3A_685 : i32 to vector<16x1xi32>
      %eq3A_708 = arith.cmpi eq, %sub3A_706, %eq3A_707 : vector<16x1xi32>
      %broadcast_in_dim3A_709 = vector.shape_cast %eq3A_708 : vector<16x1xi1> to vector<16x1xi1>
      %broadcast_in_dim3A_710 = vector.broadcast %broadcast_in_dim3A_709 : vector<16x1xi1> to vector<16x64xi1>
      %select_n3A_711 = arith.select %broadcast_in_dim3A_710, %mul3A_699, %select_n3A_677 : vector<16x64xi1>, vector<16x64xf32>
      %select_n3A_712 = arith.select %eq3A_708, %add3A_703, %select_n3A_678 : vector<16x1xi1>, vector<16x1xf32>
      %reduce_max3A_713 = arith.constant dense<0xFF800000> : vector<16xf32>
      %reduce_max3A_714 = vector.multi_reduction <maximumf>, %mul3A_699, %reduce_max3A_713 [1] : vector<16x64xf32> to vector<16xf32>
      %broadcast_in_dim3A_715 = vector.shape_cast %reduce_max3A_714 : vector<16xf32> to vector<16x1xf32>
      %mul3A_716 = arith.constant 16 : i32
      %mul3A_717 = arith.muli %mul3A_716, %scan3A_506 : i32
      %add3A_718 = arith.constant 6 : i32
      %add3A_719 = arith.addi %mul3A_717, %add3A_718 : i32
      %dot_general3A_720 = arith.constant dense<0.000000e+00> : vector<16x64xf32>
      %dot_general3A_721 = tpu.matmul %mul3A_699, %exp3A, %dot_general3A_720 {dimension_numbers = #tpu.dot_dimension_numbers<[1], [0], [0], [1], [0, 0, 1, 1], [], []>, transpose_lhs_hint = false} : vector<16x64xf32>, vector<64x64xf32>, vector<16x64xf32> -> vector<16x64xf32>
      %get3A_722 = arith.index_cast %add3A_719 : i32 to index
      %get3A_723 = arith.constant 0 : index
      %get3A_724 = arith.constant 0 : index
      %get3A_725 = vector.load %arg0[%get3A_722, %get3A_723, %get3A_724] : memref<512x16x64xf32, #tpu.memory_space<vmem>>, vector<1x16x64xf32>
      %get3A_726 = vector.shape_cast %get3A_725 : vector<1x16x64xf32> to vector<16x64xf32>
      %exp3A_727 = math.exp %get3A_726 : vector<16x64xf32>
      %div3A_728 = arith.constant 1.000000e+00 : f32
      %div3A_729 = vector.broadcast %div3A_728 : f32 to vector<16x1xf32>
      %div3A_730 = arith.divf %div3A_729, %broadcast_in_dim3A_715 : vector<16x1xf32>
      %mul3A_731 = vector.broadcast %div3A_730 : vector<16x1xf32> to vector<16x64xf32>
      %mul3A_732 = arith.mulf %exp3A_727, %mul3A_731 : vector<16x64xf32>
      %mul3A_733 = arith.mulf %dot_general3A_721, %mul3A_732 : vector<16x64xf32>
      %log3A_734 = math.log %broadcast_in_dim3A_715 : vector<16x1xf32>
      %add3A_735 = vector.broadcast %reduce_max3A_5 : f32 to vector<16x1xf32>
      %add3A_736 = arith.addf %log3A_734, %add3A_735 : vector<16x1xf32>
      %add3A_737 = arith.addf %add3A_703, %add3A_736 : vector<16x1xf32>
      %sub3A_738 = arith.constant 1 : i32
      %sub3A_739 = vector.broadcast %sub3A_738 : i32 to vector<16x1xi32>
      %sub3A_740 = arith.subi %get3A_9, %sub3A_739 : vector<16x1xi32>
      %eq3A_741 = vector.broadcast %add3A_719 : i32 to vector<16x1xi32>
      %eq3A_742 = arith.cmpi eq, %sub3A_740, %eq3A_741 : vector<16x1xi32>
      %broadcast_in_dim3A_743 = vector.shape_cast %eq3A_742 : vector<16x1xi1> to vector<16x1xi1>
      %broadcast_in_dim3A_744 = vector.broadcast %broadcast_in_dim3A_743 : vector<16x1xi1> to vector<16x64xi1>
      %select_n3A_745 = arith.select %broadcast_in_dim3A_744, %mul3A_733, %select_n3A_711 : vector<16x64xi1>, vector<16x64xf32>
      %select_n3A_746 = arith.select %eq3A_742, %add3A_737, %select_n3A_712 : vector<16x1xi1>, vector<16x1xf32>
      %reduce_max3A_747 = arith.constant dense<0xFF800000> : vector<16xf32>
      %reduce_max3A_748 = vector.multi_reduction <maximumf>, %mul3A_733, %reduce_max3A_747 [1] : vector<16x64xf32> to vector<16xf32>
      %broadcast_in_dim3A_749 = vector.shape_cast %reduce_max3A_748 : vector<16xf32> to vector<16x1xf32>
      %mul3A_750 = arith.constant 16 : i32
      %mul3A_751 = arith.muli %mul3A_750, %scan3A_506 : i32
      %add3A_752 = arith.constant 7 : i32
      %add3A_753 = arith.addi %mul3A_751, %add3A_752 : i32
      %dot_general3A_754 = arith.constant dense<0.000000e+00> : vector<16x64xf32>
      %dot_general3A_755 = tpu.matmul %mul3A_733, %exp3A, %dot_general3A_754 {dimension_numbers = #tpu.dot_dimension_numbers<[1], [0], [0], [1], [0, 0, 1, 1], [], []>, transpose_lhs_hint = false} : vector<16x64xf32>, vector<64x64xf32>, vector<16x64xf32> -> vector<16x64xf32>
      %get3A_756 = arith.index_cast %add3A_753 : i32 to index
      %get3A_757 = arith.constant 0 : index
      %get3A_758 = arith.constant 0 : index
      %get3A_759 = vector.load %arg0[%get3A_756, %get3A_757, %get3A_758] : memref<512x16x64xf32, #tpu.memory_space<vmem>>, vector<1x16x64xf32>
      %get3A_760 = vector.shape_cast %get3A_759 : vector<1x16x64xf32> to vector<16x64xf32>
      %exp3A_761 = math.exp %get3A_760 : vector<16x64xf32>
      %div3A_762 = arith.constant 1.000000e+00 : f32
      %div3A_763 = vector.broadcast %div3A_762 : f32 to vector<16x1xf32>
      %div3A_764 = arith.divf %div3A_763, %broadcast_in_dim3A_749 : vector<16x1xf32>
      %mul3A_765 = vector.broadcast %div3A_764 : vector<16x1xf32> to vector<16x64xf32>
      %mul3A_766 = arith.mulf %exp3A_761, %mul3A_765 : vector<16x64xf32>
      %mul3A_767 = arith.mulf %dot_general3A_755, %mul3A_766 : vector<16x64xf32>
      %log3A_768 = math.log %broadcast_in_dim3A_749 : vector<16x1xf32>
      %add3A_769 = vector.broadcast %reduce_max3A_5 : f32 to vector<16x1xf32>
      %add3A_770 = arith.addf %log3A_768, %add3A_769 : vector<16x1xf32>
      %add3A_771 = arith.addf %add3A_737, %add3A_770 : vector<16x1xf32>
      %sub3A_772 = arith.constant 1 : i32
      %sub3A_773 = vector.broadcast %sub3A_772 : i32 to vector<16x1xi32>
      %sub3A_774 = arith.subi %get3A_9, %sub3A_773 : vector<16x1xi32>
      %eq3A_775 = vector.broadcast %add3A_753 : i32 to vector<16x1xi32>
      %eq3A_776 = arith.cmpi eq, %sub3A_774, %eq3A_775 : vector<16x1xi32>
      %broadcast_in_dim3A_777 = vector.shape_cast %eq3A_776 : vector<16x1xi1> to vector<16x1xi1>
      %broadcast_in_dim3A_778 = vector.broadcast %broadcast_in_dim3A_777 : vector<16x1xi1> to vector<16x64xi1>
      %select_n3A_779 = arith.select %broadcast_in_dim3A_778, %mul3A_767, %select_n3A_745 : vector<16x64xi1>, vector<16x64xf32>
      %select_n3A_780 = arith.select %eq3A_776, %add3A_771, %select_n3A_746 : vector<16x1xi1>, vector<16x1xf32>
      %reduce_max3A_781 = arith.constant dense<0xFF800000> : vector<16xf32>
      %reduce_max3A_782 = vector.multi_reduction <maximumf>, %mul3A_767, %reduce_max3A_781 [1] : vector<16x64xf32> to vector<16xf32>
      %broadcast_in_dim3A_783 = vector.shape_cast %reduce_max3A_782 : vector<16xf32> to vector<16x1xf32>
      %mul3A_784 = arith.constant 16 : i32
      %mul3A_785 = arith.muli %mul3A_784, %scan3A_506 : i32
      %add3A_786 = arith.constant 8 : i32
      %add3A_787 = arith.addi %mul3A_785, %add3A_786 : i32
      %dot_general3A_788 = arith.constant dense<0.000000e+00> : vector<16x64xf32>
      %dot_general3A_789 = tpu.matmul %mul3A_767, %exp3A, %dot_general3A_788 {dimension_numbers = #tpu.dot_dimension_numbers<[1], [0], [0], [1], [0, 0, 1, 1], [], []>, transpose_lhs_hint = false} : vector<16x64xf32>, vector<64x64xf32>, vector<16x64xf32> -> vector<16x64xf32>
      %get3A_790 = arith.index_cast %add3A_787 : i32 to index
      %get3A_791 = arith.constant 0 : index
      %get3A_792 = arith.constant 0 : index
      %get3A_793 = vector.load %arg0[%get3A_790, %get3A_791, %get3A_792] : memref<512x16x64xf32, #tpu.memory_space<vmem>>, vector<1x16x64xf32>
      %get3A_794 = vector.shape_cast %get3A_793 : vector<1x16x64xf32> to vector<16x64xf32>
      %exp3A_795 = math.exp %get3A_794 : vector<16x64xf32>
      %div3A_796 = arith.constant 1.000000e+00 : f32
      %div3A_797 = vector.broadcast %div3A_796 : f32 to vector<16x1xf32>
      %div3A_798 = arith.divf %div3A_797, %broadcast_in_dim3A_783 : vector<16x1xf32>
      %mul3A_799 = vector.broadcast %div3A_798 : vector<16x1xf32> to vector<16x64xf32>
      %mul3A_800 = arith.mulf %exp3A_795, %mul3A_799 : vector<16x64xf32>
      %mul3A_801 = arith.mulf %dot_general3A_789, %mul3A_800 : vector<16x64xf32>
      %log3A_802 = math.log %broadcast_in_dim3A_783 : vector<16x1xf32>
      %add3A_803 = vector.broadcast %reduce_max3A_5 : f32 to vector<16x1xf32>
      %add3A_804 = arith.addf %log3A_802, %add3A_803 : vector<16x1xf32>
      %add3A_805 = arith.addf %add3A_771, %add3A_804 : vector<16x1xf32>
      %sub3A_806 = arith.constant 1 : i32
      %sub3A_807 = vector.broadcast %sub3A_806 : i32 to vector<16x1xi32>
      %sub3A_808 = arith.subi %get3A_9, %sub3A_807 : vector<16x1xi32>
      %eq3A_809 = vector.broadcast %add3A_787 : i32 to vector<16x1xi32>
      %eq3A_810 = arith.cmpi eq, %sub3A_808, %eq3A_809 : vector<16x1xi32>
      %broadcast_in_dim3A_811 = vector.shape_cast %eq3A_810 : vector<16x1xi1> to vector<16x1xi1>
      %broadcast_in_dim3A_812 = vector.broadcast %broadcast_in_dim3A_811 : vector<16x1xi1> to vector<16x64xi1>
      %select_n3A_813 = arith.select %broadcast_in_dim3A_812, %mul3A_801, %select_n3A_779 : vector<16x64xi1>, vector<16x64xf32>
      %select_n3A_814 = arith.select %eq3A_810, %add3A_805, %select_n3A_780 : vector<16x1xi1>, vector<16x1xf32>
      %reduce_max3A_815 = arith.constant dense<0xFF800000> : vector<16xf32>
      %reduce_max3A_816 = vector.multi_reduction <maximumf>, %mul3A_801, %reduce_max3A_815 [1] : vector<16x64xf32> to vector<16xf32>
      %broadcast_in_dim3A_817 = vector.shape_cast %reduce_max3A_816 : vector<16xf32> to vector<16x1xf32>
      %mul3A_818 = arith.constant 16 : i32
      %mul3A_819 = arith.muli %mul3A_818, %scan3A_506 : i32
      %add3A_820 = arith.constant 9 : i32
      %add3A_821 = arith.addi %mul3A_819, %add3A_820 : i32
      %dot_general3A_822 = arith.constant dense<0.000000e+00> : vector<16x64xf32>
      %dot_general3A_823 = tpu.matmul %mul3A_801, %exp3A, %dot_general3A_822 {dimension_numbers = #tpu.dot_dimension_numbers<[1], [0], [0], [1], [0, 0, 1, 1], [], []>, transpose_lhs_hint = false} : vector<16x64xf32>, vector<64x64xf32>, vector<16x64xf32> -> vector<16x64xf32>
      %get3A_824 = arith.index_cast %add3A_821 : i32 to index
      %get3A_825 = arith.constant 0 : index
      %get3A_826 = arith.constant 0 : index
      %get3A_827 = vector.load %arg0[%get3A_824, %get3A_825, %get3A_826] : memref<512x16x64xf32, #tpu.memory_space<vmem>>, vector<1x16x64xf32>
      %get3A_828 = vector.shape_cast %get3A_827 : vector<1x16x64xf32> to vector<16x64xf32>
      %exp3A_829 = math.exp %get3A_828 : vector<16x64xf32>
      %div3A_830 = arith.constant 1.000000e+00 : f32
      %div3A_831 = vector.broadcast %div3A_830 : f32 to vector<16x1xf32>
      %div3A_832 = arith.divf %div3A_831, %broadcast_in_dim3A_817 : vector<16x1xf32>
      %mul3A_833 = vector.broadcast %div3A_832 : vector<16x1xf32> to vector<16x64xf32>
      %mul3A_834 = arith.mulf %exp3A_829, %mul3A_833 : vector<16x64xf32>
      %mul3A_835 = arith.mulf %dot_general3A_823, %mul3A_834 : vector<16x64xf32>
      %log3A_836 = math.log %broadcast_in_dim3A_817 : vector<16x1xf32>
      %add3A_837 = vector.broadcast %reduce_max3A_5 : f32 to vector<16x1xf32>
      %add3A_838 = arith.addf %log3A_836, %add3A_837 : vector<16x1xf32>
      %add3A_839 = arith.addf %add3A_805, %add3A_838 : vector<16x1xf32>
      %sub3A_840 = arith.constant 1 : i32
      %sub3A_841 = vector.broadcast %sub3A_840 : i32 to vector<16x1xi32>
      %sub3A_842 = arith.subi %get3A_9, %sub3A_841 : vector<16x1xi32>
      %eq3A_843 = vector.broadcast %add3A_821 : i32 to vector<16x1xi32>
      %eq3A_844 = arith.cmpi eq, %sub3A_842, %eq3A_843 : vector<16x1xi32>
      %broadcast_in_dim3A_845 = vector.shape_cast %eq3A_844 : vector<16x1xi1> to vector<16x1xi1>
      %broadcast_in_dim3A_846 = vector.broadcast %broadcast_in_dim3A_845 : vector<16x1xi1> to vector<16x64xi1>
      %select_n3A_847 = arith.select %broadcast_in_dim3A_846, %mul3A_835, %select_n3A_813 : vector<16x64xi1>, vector<16x64xf32>
      %select_n3A_848 = arith.select %eq3A_844, %add3A_839, %select_n3A_814 : vector<16x1xi1>, vector<16x1xf32>
      %reduce_max3A_849 = arith.constant dense<0xFF800000> : vector<16xf32>
      %reduce_max3A_850 = vector.multi_reduction <maximumf>, %mul3A_835, %reduce_max3A_849 [1] : vector<16x64xf32> to vector<16xf32>
      %broadcast_in_dim3A_851 = vector.shape_cast %reduce_max3A_850 : vector<16xf32> to vector<16x1xf32>
      %mul3A_852 = arith.constant 16 : i32
      %mul3A_853 = arith.muli %mul3A_852, %scan3A_506 : i32
      %add3A_854 = arith.constant 10 : i32
      %add3A_855 = arith.addi %mul3A_853, %add3A_854 : i32
      %dot_general3A_856 = arith.constant dense<0.000000e+00> : vector<16x64xf32>
      %dot_general3A_857 = tpu.matmul %mul3A_835, %exp3A, %dot_general3A_856 {dimension_numbers = #tpu.dot_dimension_numbers<[1], [0], [0], [1], [0, 0, 1, 1], [], []>, transpose_lhs_hint = false} : vector<16x64xf32>, vector<64x64xf32>, vector<16x64xf32> -> vector<16x64xf32>
      %get3A_858 = arith.index_cast %add3A_855 : i32 to index
      %get3A_859 = arith.constant 0 : index
      %get3A_860 = arith.constant 0 : index
      %get3A_861 = vector.load %arg0[%get3A_858, %get3A_859, %get3A_860] : memref<512x16x64xf32, #tpu.memory_space<vmem>>, vector<1x16x64xf32>
      %get3A_862 = vector.shape_cast %get3A_861 : vector<1x16x64xf32> to vector<16x64xf32>
      %exp3A_863 = math.exp %get3A_862 : vector<16x64xf32>
      %div3A_864 = arith.constant 1.000000e+00 : f32
      %div3A_865 = vector.broadcast %div3A_864 : f32 to vector<16x1xf32>
      %div3A_866 = arith.divf %div3A_865, %broadcast_in_dim3A_851 : vector<16x1xf32>
      %mul3A_867 = vector.broadcast %div3A_866 : vector<16x1xf32> to vector<16x64xf32>
      %mul3A_868 = arith.mulf %exp3A_863, %mul3A_867 : vector<16x64xf32>
      %mul3A_869 = arith.mulf %dot_general3A_857, %mul3A_868 : vector<16x64xf32>
      %log3A_870 = math.log %broadcast_in_dim3A_851 : vector<16x1xf32>
      %add3A_871 = vector.broadcast %reduce_max3A_5 : f32 to vector<16x1xf32>
      %add3A_872 = arith.addf %log3A_870, %add3A_871 : vector<16x1xf32>
      %add3A_873 = arith.addf %add3A_839, %add3A_872 : vector<16x1xf32>
      %sub3A_874 = arith.constant 1 : i32
      %sub3A_875 = vector.broadcast %sub3A_874 : i32 to vector<16x1xi32>
      %sub3A_876 = arith.subi %get3A_9, %sub3A_875 : vector<16x1xi32>
      %eq3A_877 = vector.broadcast %add3A_855 : i32 to vector<16x1xi32>
      %eq3A_878 = arith.cmpi eq, %sub3A_876, %eq3A_877 : vector<16x1xi32>
      %broadcast_in_dim3A_879 = vector.shape_cast %eq3A_878 : vector<16x1xi1> to vector<16x1xi1>
      %broadcast_in_dim3A_880 = vector.broadcast %broadcast_in_dim3A_879 : vector<16x1xi1> to vector<16x64xi1>
      %select_n3A_881 = arith.select %broadcast_in_dim3A_880, %mul3A_869, %select_n3A_847 : vector<16x64xi1>, vector<16x64xf32>
      %select_n3A_882 = arith.select %eq3A_878, %add3A_873, %select_n3A_848 : vector<16x1xi1>, vector<16x1xf32>
      %reduce_max3A_883 = arith.constant dense<0xFF800000> : vector<16xf32>
      %reduce_max3A_884 = vector.multi_reduction <maximumf>, %mul3A_869, %reduce_max3A_883 [1] : vector<16x64xf32> to vector<16xf32>
      %broadcast_in_dim3A_885 = vector.shape_cast %reduce_max3A_884 : vector<16xf32> to vector<16x1xf32>
      %mul3A_886 = arith.constant 16 : i32
      %mul3A_887 = arith.muli %mul3A_886, %scan3A_506 : i32
      %add3A_888 = arith.constant 11 : i32
      %add3A_889 = arith.addi %mul3A_887, %add3A_888 : i32
      %dot_general3A_890 = arith.constant dense<0.000000e+00> : vector<16x64xf32>
      %dot_general3A_891 = tpu.matmul %mul3A_869, %exp3A, %dot_general3A_890 {dimension_numbers = #tpu.dot_dimension_numbers<[1], [0], [0], [1], [0, 0, 1, 1], [], []>, transpose_lhs_hint = false} : vector<16x64xf32>, vector<64x64xf32>, vector<16x64xf32> -> vector<16x64xf32>
      %get3A_892 = arith.index_cast %add3A_889 : i32 to index
      %get3A_893 = arith.constant 0 : index
      %get3A_894 = arith.constant 0 : index
      %get3A_895 = vector.load %arg0[%get3A_892, %get3A_893, %get3A_894] : memref<512x16x64xf32, #tpu.memory_space<vmem>>, vector<1x16x64xf32>
      %get3A_896 = vector.shape_cast %get3A_895 : vector<1x16x64xf32> to vector<16x64xf32>
      %exp3A_897 = math.exp %get3A_896 : vector<16x64xf32>
      %div3A_898 = arith.constant 1.000000e+00 : f32
      %div3A_899 = vector.broadcast %div3A_898 : f32 to vector<16x1xf32>
      %div3A_900 = arith.divf %div3A_899, %broadcast_in_dim3A_885 : vector<16x1xf32>
      %mul3A_901 = vector.broadcast %div3A_900 : vector<16x1xf32> to vector<16x64xf32>
      %mul3A_902 = arith.mulf %exp3A_897, %mul3A_901 : vector<16x64xf32>
      %mul3A_903 = arith.mulf %dot_general3A_891, %mul3A_902 : vector<16x64xf32>
      %log3A_904 = math.log %broadcast_in_dim3A_885 : vector<16x1xf32>
      %add3A_905 = vector.broadcast %reduce_max3A_5 : f32 to vector<16x1xf32>
      %add3A_906 = arith.addf %log3A_904, %add3A_905 : vector<16x1xf32>
      %add3A_907 = arith.addf %add3A_873, %add3A_906 : vector<16x1xf32>
      %sub3A_908 = arith.constant 1 : i32
      %sub3A_909 = vector.broadcast %sub3A_908 : i32 to vector<16x1xi32>
      %sub3A_910 = arith.subi %get3A_9, %sub3A_909 : vector<16x1xi32>
      %eq3A_911 = vector.broadcast %add3A_889 : i32 to vector<16x1xi32>
      %eq3A_912 = arith.cmpi eq, %sub3A_910, %eq3A_911 : vector<16x1xi32>
      %broadcast_in_dim3A_913 = vector.shape_cast %eq3A_912 : vector<16x1xi1> to vector<16x1xi1>
      %broadcast_in_dim3A_914 = vector.broadcast %broadcast_in_dim3A_913 : vector<16x1xi1> to vector<16x64xi1>
      %select_n3A_915 = arith.select %broadcast_in_dim3A_914, %mul3A_903, %select_n3A_881 : vector<16x64xi1>, vector<16x64xf32>
      %select_n3A_916 = arith.select %eq3A_912, %add3A_907, %select_n3A_882 : vector<16x1xi1>, vector<16x1xf32>
      %reduce_max3A_917 = arith.constant dense<0xFF800000> : vector<16xf32>
      %reduce_max3A_918 = vector.multi_reduction <maximumf>, %mul3A_903, %reduce_max3A_917 [1] : vector<16x64xf32> to vector<16xf32>
      %broadcast_in_dim3A_919 = vector.shape_cast %reduce_max3A_918 : vector<16xf32> to vector<16x1xf32>
      %mul3A_920 = arith.constant 16 : i32
      %mul3A_921 = arith.muli %mul3A_920, %scan3A_506 : i32
      %add3A_922 = arith.constant 12 : i32
      %add3A_923 = arith.addi %mul3A_921, %add3A_922 : i32
      %dot_general3A_924 = arith.constant dense<0.000000e+00> : vector<16x64xf32>
      %dot_general3A_925 = tpu.matmul %mul3A_903, %exp3A, %dot_general3A_924 {dimension_numbers = #tpu.dot_dimension_numbers<[1], [0], [0], [1], [0, 0, 1, 1], [], []>, transpose_lhs_hint = false} : vector<16x64xf32>, vector<64x64xf32>, vector<16x64xf32> -> vector<16x64xf32>
      %get3A_926 = arith.index_cast %add3A_923 : i32 to index
      %get3A_927 = arith.constant 0 : index
      %get3A_928 = arith.constant 0 : index
      %get3A_929 = vector.load %arg0[%get3A_926, %get3A_927, %get3A_928] : memref<512x16x64xf32, #tpu.memory_space<vmem>>, vector<1x16x64xf32>
      %get3A_930 = vector.shape_cast %get3A_929 : vector<1x16x64xf32> to vector<16x64xf32>
      %exp3A_931 = math.exp %get3A_930 : vector<16x64xf32>
      %div3A_932 = arith.constant 1.000000e+00 : f32
      %div3A_933 = vector.broadcast %div3A_932 : f32 to vector<16x1xf32>
      %div3A_934 = arith.divf %div3A_933, %broadcast_in_dim3A_919 : vector<16x1xf32>
      %mul3A_935 = vector.broadcast %div3A_934 : vector<16x1xf32> to vector<16x64xf32>
      %mul3A_936 = arith.mulf %exp3A_931, %mul3A_935 : vector<16x64xf32>
      %mul3A_937 = arith.mulf %dot_general3A_925, %mul3A_936 : vector<16x64xf32>
      %log3A_938 = math.log %broadcast_in_dim3A_919 : vector<16x1xf32>
      %add3A_939 = vector.broadcast %reduce_max3A_5 : f32 to vector<16x1xf32>
      %add3A_940 = arith.addf %log3A_938, %add3A_939 : vector<16x1xf32>
      %add3A_941 = arith.addf %add3A_907, %add3A_940 : vector<16x1xf32>
      %sub3A_942 = arith.constant 1 : i32
      %sub3A_943 = vector.broadcast %sub3A_942 : i32 to vector<16x1xi32>
      %sub3A_944 = arith.subi %get3A_9, %sub3A_943 : vector<16x1xi32>
      %eq3A_945 = vector.broadcast %add3A_923 : i32 to vector<16x1xi32>
      %eq3A_946 = arith.cmpi eq, %sub3A_944, %eq3A_945 : vector<16x1xi32>
      %broadcast_in_dim3A_947 = vector.shape_cast %eq3A_946 : vector<16x1xi1> to vector<16x1xi1>
      %broadcast_in_dim3A_948 = vector.broadcast %broadcast_in_dim3A_947 : vector<16x1xi1> to vector<16x64xi1>
      %select_n3A_949 = arith.select %broadcast_in_dim3A_948, %mul3A_937, %select_n3A_915 : vector<16x64xi1>, vector<16x64xf32>
      %select_n3A_950 = arith.select %eq3A_946, %add3A_941, %select_n3A_916 : vector<16x1xi1>, vector<16x1xf32>
      %reduce_max3A_951 = arith.constant dense<0xFF800000> : vector<16xf32>
      %reduce_max3A_952 = vector.multi_reduction <maximumf>, %mul3A_937, %reduce_max3A_951 [1] : vector<16x64xf32> to vector<16xf32>
      %broadcast_in_dim3A_953 = vector.shape_cast %reduce_max3A_952 : vector<16xf32> to vector<16x1xf32>
      %mul3A_954 = arith.constant 16 : i32
      %mul3A_955 = arith.muli %mul3A_954, %scan3A_506 : i32
      %add3A_956 = arith.constant 13 : i32
      %add3A_957 = arith.addi %mul3A_955, %add3A_956 : i32
      %dot_general3A_958 = arith.constant dense<0.000000e+00> : vector<16x64xf32>
      %dot_general3A_959 = tpu.matmul %mul3A_937, %exp3A, %dot_general3A_958 {dimension_numbers = #tpu.dot_dimension_numbers<[1], [0], [0], [1], [0, 0, 1, 1], [], []>, transpose_lhs_hint = false} : vector<16x64xf32>, vector<64x64xf32>, vector<16x64xf32> -> vector<16x64xf32>
      %get3A_960 = arith.index_cast %add3A_957 : i32 to index
      %get3A_961 = arith.constant 0 : index
      %get3A_962 = arith.constant 0 : index
      %get3A_963 = vector.load %arg0[%get3A_960, %get3A_961, %get3A_962] : memref<512x16x64xf32, #tpu.memory_space<vmem>>, vector<1x16x64xf32>
      %get3A_964 = vector.shape_cast %get3A_963 : vector<1x16x64xf32> to vector<16x64xf32>
      %exp3A_965 = math.exp %get3A_964 : vector<16x64xf32>
      %div3A_966 = arith.constant 1.000000e+00 : f32
      %div3A_967 = vector.broadcast %div3A_966 : f32 to vector<16x1xf32>
      %div3A_968 = arith.divf %div3A_967, %broadcast_in_dim3A_953 : vector<16x1xf32>
      %mul3A_969 = vector.broadcast %div3A_968 : vector<16x1xf32> to vector<16x64xf32>
      %mul3A_970 = arith.mulf %exp3A_965, %mul3A_969 : vector<16x64xf32>
      %mul3A_971 = arith.mulf %dot_general3A_959, %mul3A_970 : vector<16x64xf32>
      %log3A_972 = math.log %broadcast_in_dim3A_953 : vector<16x1xf32>
      %add3A_973 = vector.broadcast %reduce_max3A_5 : f32 to vector<16x1xf32>
      %add3A_974 = arith.addf %log3A_972, %add3A_973 : vector<16x1xf32>
      %add3A_975 = arith.addf %add3A_941, %add3A_974 : vector<16x1xf32>
      %sub3A_976 = arith.constant 1 : i32
      %sub3A_977 = vector.broadcast %sub3A_976 : i32 to vector<16x1xi32>
      %sub3A_978 = arith.subi %get3A_9, %sub3A_977 : vector<16x1xi32>
      %eq3A_979 = vector.broadcast %add3A_957 : i32 to vector<16x1xi32>
      %eq3A_980 = arith.cmpi eq, %sub3A_978, %eq3A_979 : vector<16x1xi32>
      %broadcast_in_dim3A_981 = vector.shape_cast %eq3A_980 : vector<16x1xi1> to vector<16x1xi1>
      %broadcast_in_dim3A_982 = vector.broadcast %broadcast_in_dim3A_981 : vector<16x1xi1> to vector<16x64xi1>
      %select_n3A_983 = arith.select %broadcast_in_dim3A_982, %mul3A_971, %select_n3A_949 : vector<16x64xi1>, vector<16x64xf32>
      %select_n3A_984 = arith.select %eq3A_980, %add3A_975, %select_n3A_950 : vector<16x1xi1>, vector<16x1xf32>
      %reduce_max3A_985 = arith.constant dense<0xFF800000> : vector<16xf32>
      %reduce_max3A_986 = vector.multi_reduction <maximumf>, %mul3A_971, %reduce_max3A_985 [1] : vector<16x64xf32> to vector<16xf32>
      %broadcast_in_dim3A_987 = vector.shape_cast %reduce_max3A_986 : vector<16xf32> to vector<16x1xf32>
      %mul3A_988 = arith.constant 16 : i32
      %mul3A_989 = arith.muli %mul3A_988, %scan3A_506 : i32
      %add3A_990 = arith.constant 14 : i32
      %add3A_991 = arith.addi %mul3A_989, %add3A_990 : i32
      %dot_general3A_992 = arith.constant dense<0.000000e+00> : vector<16x64xf32>
      %dot_general3A_993 = tpu.matmul %mul3A_971, %exp3A, %dot_general3A_992 {dimension_numbers = #tpu.dot_dimension_numbers<[1], [0], [0], [1], [0, 0, 1, 1], [], []>, transpose_lhs_hint = false} : vector<16x64xf32>, vector<64x64xf32>, vector<16x64xf32> -> vector<16x64xf32>
      %get3A_994 = arith.index_cast %add3A_991 : i32 to index
      %get3A_995 = arith.constant 0 : index
      %get3A_996 = arith.constant 0 : index
      %get3A_997 = vector.load %arg0[%get3A_994, %get3A_995, %get3A_996] : memref<512x16x64xf32, #tpu.memory_space<vmem>>, vector<1x16x64xf32>
      %get3A_998 = vector.shape_cast %get3A_997 : vector<1x16x64xf32> to vector<16x64xf32>
      %exp3A_999 = math.exp %get3A_998 : vector<16x64xf32>
      %div3A_1000 = arith.constant 1.000000e+00 : f32
      %div3A_1001 = vector.broadcast %div3A_1000 : f32 to vector<16x1xf32>
      %div3A_1002 = arith.divf %div3A_1001, %broadcast_in_dim3A_987 : vector<16x1xf32>
      %mul3A_1003 = vector.broadcast %div3A_1002 : vector<16x1xf32> to vector<16x64xf32>
      %mul3A_1004 = arith.mulf %exp3A_999, %mul3A_1003 : vector<16x64xf32>
      %mul3A_1005 = arith.mulf %dot_general3A_993, %mul3A_1004 : vector<16x64xf32>
      %log3A_1006 = math.log %broadcast_in_dim3A_987 : vector<16x1xf32>
      %add3A_1007 = vector.broadcast %reduce_max3A_5 : f32 to vector<16x1xf32>
      %add3A_1008 = arith.addf %log3A_1006, %add3A_1007 : vector<16x1xf32>
      %add3A_1009 = arith.addf %add3A_975, %add3A_1008 : vector<16x1xf32>
      %sub3A_1010 = arith.constant 1 : i32
      %sub3A_1011 = vector.broadcast %sub3A_1010 : i32 to vector<16x1xi32>
      %sub3A_1012 = arith.subi %get3A_9, %sub3A_1011 : vector<16x1xi32>
      %eq3A_1013 = vector.broadcast %add3A_991 : i32 to vector<16x1xi32>
      %eq3A_1014 = arith.cmpi eq, %sub3A_1012, %eq3A_1013 : vector<16x1xi32>
      %broadcast_in_dim3A_1015 = vector.shape_cast %eq3A_1014 : vector<16x1xi1> to vector<16x1xi1>
      %broadcast_in_dim3A_1016 = vector.broadcast %broadcast_in_dim3A_1015 : vector<16x1xi1> to vector<16x64xi1>
      %select_n3A_1017 = arith.select %broadcast_in_dim3A_1016, %mul3A_1005, %select_n3A_983 : vector<16x64xi1>, vector<16x64xf32>
      %select_n3A_1018 = arith.select %eq3A_1014, %add3A_1009, %select_n3A_984 : vector<16x1xi1>, vector<16x1xf32>
      %reduce_max3A_1019 = arith.constant dense<0xFF800000> : vector<16xf32>
      %reduce_max3A_1020 = vector.multi_reduction <maximumf>, %mul3A_1005, %reduce_max3A_1019 [1] : vector<16x64xf32> to vector<16xf32>
      %broadcast_in_dim3A_1021 = vector.shape_cast %reduce_max3A_1020 : vector<16xf32> to vector<16x1xf32>
      %mul3A_1022 = arith.constant 16 : i32
      %mul3A_1023 = arith.muli %mul3A_1022, %scan3A_506 : i32
      %add3A_1024 = arith.constant 15 : i32
      %add3A_1025 = arith.addi %mul3A_1023, %add3A_1024 : i32
      %dot_general3A_1026 = arith.constant dense<0.000000e+00> : vector<16x64xf32>
      %dot_general3A_1027 = tpu.matmul %mul3A_1005, %exp3A, %dot_general3A_1026 {dimension_numbers = #tpu.dot_dimension_numbers<[1], [0], [0], [1], [0, 0, 1, 1], [], []>, transpose_lhs_hint = false} : vector<16x64xf32>, vector<64x64xf32>, vector<16x64xf32> -> vector<16x64xf32>
      %get3A_1028 = arith.index_cast %add3A_1025 : i32 to index
      %get3A_1029 = arith.constant 0 : index
      %get3A_1030 = arith.constant 0 : index
      %get3A_1031 = vector.load %arg0[%get3A_1028, %get3A_1029, %get3A_1030] : memref<512x16x64xf32, #tpu.memory_space<vmem>>, vector<1x16x64xf32>
      %get3A_1032 = vector.shape_cast %get3A_1031 : vector<1x16x64xf32> to vector<16x64xf32>
      %exp3A_1033 = math.exp %get3A_1032 : vector<16x64xf32>
      %div3A_1034 = arith.constant 1.000000e+00 : f32
      %div3A_1035 = vector.broadcast %div3A_1034 : f32 to vector<16x1xf32>
      %div3A_1036 = arith.divf %div3A_1035, %broadcast_in_dim3A_1021 : vector<16x1xf32>
      %mul3A_1037 = vector.broadcast %div3A_1036 : vector<16x1xf32> to vector<16x64xf32>
      %mul3A_1038 = arith.mulf %exp3A_1033, %mul3A_1037 : vector<16x64xf32>
      %mul3A_1039 = arith.mulf %dot_general3A_1027, %mul3A_1038 : vector<16x64xf32>
      %log3A_1040 = math.log %broadcast_in_dim3A_1021 : vector<16x1xf32>
      %add3A_1041 = vector.broadcast %reduce_max3A_5 : f32 to vector<16x1xf32>
      %add3A_1042 = arith.addf %log3A_1040, %add3A_1041 : vector<16x1xf32>
      %add3A_1043 = arith.addf %add3A_1009, %add3A_1042 : vector<16x1xf32>
      %sub3A_1044 = arith.constant 1 : i32
      %sub3A_1045 = vector.broadcast %sub3A_1044 : i32 to vector<16x1xi32>
      %sub3A_1046 = arith.subi %get3A_9, %sub3A_1045 : vector<16x1xi32>
      %eq3A_1047 = vector.broadcast %add3A_1025 : i32 to vector<16x1xi32>
      %eq3A_1048 = arith.cmpi eq, %sub3A_1046, %eq3A_1047 : vector<16x1xi32>
      %broadcast_in_dim3A_1049 = vector.shape_cast %eq3A_1048 : vector<16x1xi1> to vector<16x1xi1>
      %broadcast_in_dim3A_1050 = vector.broadcast %broadcast_in_dim3A_1049 : vector<16x1xi1> to vector<16x64xi1>
      %select_n3A_1051 = arith.select %broadcast_in_dim3A_1050, %mul3A_1039, %select_n3A_1017 : vector<16x64xi1>, vector<16x64xf32>
      %select_n3A_1052 = arith.select %eq3A_1048, %add3A_1043, %select_n3A_1018 : vector<16x1xi1>, vector<16x1xf32>
      %reduce_max3A_1053 = arith.constant dense<0xFF800000> : vector<16xf32>
      %reduce_max3A_1054 = vector.multi_reduction <maximumf>, %mul3A_1039, %reduce_max3A_1053 [1] : vector<16x64xf32> to vector<16xf32>
      %broadcast_in_dim3A_1055 = vector.shape_cast %reduce_max3A_1054 : vector<16xf32> to vector<16x1xf32>
      scf.yield %mul3A_1039, %broadcast_in_dim3A_1055, %add3A_1043, %select_n3A_1051, %select_n3A_1052 : vector<16x64xf32>, vector<16x1xf32>, vector<16x1xf32>, vector<16x64xf32>, vector<16x1xf32>
    }
    %scan3A_487 = arith.constant 31 : i32
    %dot_general3A_488 = arith.constant dense<0.000000e+00> : vector<16x64xf32>
    %dot_general3A_489 = tpu.matmul %scan3A_486#3, %exp3A, %dot_general3A_488 {dimension_numbers = #tpu.dot_dimension_numbers<[1], [0], [0], [1], [0, 0, 1, 1], [], []>, transpose_lhs_hint = false} : vector<16x64xf32>, vector<64x64xf32>, vector<16x64xf32> -> vector<16x64xf32>
    %iota3A = tpu.iota {dimensions = array<i32: 1>} : vector<16x64xi32>
    %eq3A_490 = arith.constant 62 : i32
    %eq3A_491 = vector.broadcast %eq3A_490 : i32 to vector<16x64xi32>
    %eq3A_492 = arith.cmpi eq, %iota3A, %eq3A_491 : vector<16x64xi32>
    %jit3A = arith.constant 0.000000e+00 : f32
    %broadcast_in_dim3A_493 = vector.broadcast %jit3A : f32 to vector<16x64xf32>
    %select_n3A_494 = arith.select %eq3A_492, %dot_general3A_489, %broadcast_in_dim3A_493 : vector<16x64xi1>, vector<16x64xf32>
    %reduce_sum3A = arith.constant dense<0.000000e+00> : vector<16xf32>
    %reduce_sum3A_495 = vector.multi_reduction <add>, %select_n3A_494, %reduce_sum3A [1] : vector<16x64xf32> to vector<16xf32>
    %broadcast_in_dim3A_496 = vector.shape_cast %reduce_sum3A_495 : vector<16xf32> to vector<16x1xf32>
    %log3A_497 = math.log %broadcast_in_dim3A_496 : vector<16x1xf32>
    %add3A_498 = arith.addf %log3A_497, %scan3A_486#4 : vector<16x1xf32>
    %add3A_499 = vector.broadcast %reduce_max3A_5 : f32 to vector<16x1xf32>
    %add3A_500 = arith.addf %add3A_498, %add3A_499 : vector<16x1xf32>
    %reduce_sum3A_501 = arith.constant dense<0.000000e+00> : vector<1xf32>
    %reduce_sum3A_502 = vector.multi_reduction <add>, %add3A_500, %reduce_sum3A_501 [0] : vector<16x1xf32> to vector<1xf32>
    %broadcast_in_dim3A_503 = vector.shape_cast %reduce_sum3A_502 : vector<1xf32> to vector<1x1xf32>
    %swap3A = arith.constant 0 : index
    %swap3A_504 = arith.constant 0 : index
    %swap3A_505 = vector.load %arg3[%swap3A, %swap3A_504] : memref<1x1xf32, #tpu.memory_space<vmem>>, vector<1x1xf32>
    tpu.vector_store %arg3[%swap3A, %swap3A_504], %broadcast_in_dim3A_503 {strides = array<i32>} : memref<1x1xf32, #tpu.memory_space<vmem>>, vector<1x1xf32>,
    return
  }
}

</mosaic_0001>

<sc_bundles>
// kernel: kernel.4.cloned.1.call-start
scs
__scs_entry_jumppad:
0x0: {  	(pc) =	sbr.rel $0x88, $3  }
0x1: {  	(tag) =	ssettag $0x0;
	lr =	simm.s32 $0x1  }
0x2: {  	[smem:$0x3F9D] =	sst lr;
	_ =	strace $0xD0000000  }
0x3: {  	_ = 	snop  }
0x4: {  	_ = 	snop  }
0x5: {  	_ = 	snop  }
0x6: {  	_ = 	snop  }
0x7: {  	_ = 	snop  }
__scs_overlays_trampoline_lowered:
0x8: {  	[smem:$0x3FAC] =	sst s0  }
0x9: {  	[smem:$0x3FAD] =	sst s1  }
0xa: {  	[smem:$0x3FAE] =	sst s2  }
0xb: {  	[smem:$0x3FAF] =	sst s3  }
0xc: {  	[smem:$0x3FB0] =	sst s4  }
0xd: {  	[smem:$0x3FB1] =	sst s5  }
0xe: {  	[smem:$0x3FB2] =	sst s6  }
0xf: {  	[smem:$0x3FB3] =	sst s7  }
0x10: {  	[smem:$0x3FB4] =	sst s8  }
0x11: {  	[smem:$0x3FB5] =	sst s9;
	s0 =	simm.s32 @!p0 $0x0  }
0x12: {  	s1 =	sld [smem:$0x3F9B];
	s0 =	simm.s32 @p0 $0x1  }
0x13: {  	[smem:$0x3FB6] =	sst s0;
	s0 =	simm.s32 @!p1 $0x0  }
0x14: {  	s2 =	sld [smem:$0x3F9A];
	s0 =	simm.s32 @p1 $0x1  }
0x15: {  	[smem:$0x3FB7] =	sst s0;
	s0 =	simm.s32 @!p2 $0x0  }
0x16: {  	s3 =	sld [smem:$0x3FDB];
	s0 =	simm.s32 @p2 $0x1  }
0x17: {  	s4 =	simm.s32 $0x1BF5;
	[smem:$0x3FB9] =	sst s0  }
0x18: {  	s0 =	sld [smem:$0x3F9C];
	_ =	swait.ge [sflag:s4], $0x0  }
0x19: {  	s7 =	sld [smem:$0x3F9D]  }
0x1a: {  	s8 =	sadd.s32 $0xFFFFE003, lr  }
0x1b: {  	s9 =	sadd.s32 $0xFFFFFEF7, lr;
	s5 =	simm.s32 $0xFFFFFFFF;
	p2 =	slt.u32 s8, $0xFFFFF086  }
0x1c: {  	p1 =	slt.u32 s9, $0xF7A;
	s5 =	simm.s32 @!p2 $0x0  }
0x1d: {  	s5 =	simm.s32 @p1 $0x1;
	p0 =	seq.s32 s7, s2  }
0x1e: {  	s7 =	smul.u32 @!p0 $0xF7A, s2;
	p2 =	seq.s32 @!p0 s5, $0x0  }
0x1f: {  	s9 =	smul.u32 $0xF7A, s1;
	s8 =	simm.s32 @!p0 $0x1BF5;
	p2 =	por !p2, p0  }
0x20: {  	[sflag:s8] =	ssyncset.s32 @!p0 $0xFFFFF086;
	s6 =	sadd.s32 @!p0 s3, s7;
	s7 =	simm.s32 @!p0 $0x108  }
0x21: {  	s3 =	sadd.s32 s3, s9;
	s6 =	sadd.s32 @!p0 $0x88, s6;
	s7 =	simm.s32 @p2 $0x1082  }
0x22: {  	[simem:s7], [sflag:s8] =	dma.local @!p0 [hbm:s6], $0xF7A  }
0x23: {  	s9 =	sor.u32 $0xD0000000, s2;
	s6 =	simm.s32 $0x108;
	_ =	swait.ge @!p0 [sflag:s8], $0x0  }
0x24: {  	s3 =	sadd.s32 $0x88, s3;
	s6 =	simm.s32 @!p1 $0x1082;
	[sflag:s4] =	ssyncset.s32 $0xFFFFF086  }
0x25: {  	[simem:s6], [sflag:s4] =	dma.local [hbm:s3], $0xF7A  }
0x26: {  	[smem:$0x3F9D] =	sst s1;
	(tag) =	ssettag s2;
	_ =	strace s9  }
0x27: {  	s1 =	sld [smem:$0x3FAD]  }
0x28: {  	s2 =	sld [smem:$0x3FAE]  }
0x29: {  	s4 =	sld [smem:$0x3FB0]  }
0x2a: {  	p0 =	seq.s32 s5, $0x0;
	s5 =	sld [smem:$0x3FB1]  }
0x2b: {  	s6 =	sld [smem:$0x3FB2]  }
0x2c: {  	s7 =	sld [smem:$0x3FB3]  }
0x2d: {  	s3 =	simm.s32 $0x108;
	s8 =	sld [smem:$0x3FB4]  }
0x2e: {  	s3 =	simm.s32 @!p0 $0x1082;
	s9 =	sld [smem:$0x3FB5]  }
0x2f: {  	lr =	sadd.s32 s0, s3;
	s0 =	sld [smem:$0x3FAC]  }
0x30: {  	s3 =	sld [smem:$0x3FAF]  }
0x31: {  	[smem:$0x3FB8] =	sst s10  }
0x32: {  	s10 =	sld [smem:$0x3FB6];
	_ =	sdelay $0x3  }
0x33: {  	p0 =	seq.s32 s10, $0x1;
	s10 =	sld [smem:$0x3FB8];
	_ =	sdelay $0x3  }
0x34: {  	[smem:$0x3FB8] =	sst s10  }
0x35: {  	s10 =	sld [smem:$0x3FB7];
	_ =	sdelay $0x3  }
0x36: {  	p1 =	seq.s32 s10, $0x1;
	s10 =	sld [smem:$0x3FB8];
	_ =	sdelay $0x3  }
0x37: {  	[smem:$0x3FB8] =	sst s10  }
0x38: {  	s10 =	sld [smem:$0x3FB9]  }
0x39: {  	_ = 	snop;
	(pc) =	sbr.ind lr, $3  }
0x3a: {  	_ = 	snop  }
0x3b: {  	_ = 	snop  }
0x3c: {  	p2 =	seq.s32 s10, $0x1;
	s10 =	sld [smem:$0x3FB8]  }
0x3d: {  	_ =	shalt  }
0x3e: {  	_ =	shalt  }
0x3f: {  	_ =	shalt  }
0x40: {  	_ =	shalt  }
0x41: {  	_ =	shalt  }
0x42: {  	_ =	shalt  }
0x43: {  	_ =	shalt  }
0x44: {  	_ =	shalt  }
0x45: {  	_ =	shalt  }
0x46: {  	_ =	shalt  }
0x47: {  	_ =	shalt  }
0x48: {  	_ =	shalt  }
0x49: {  	_ =	shalt  }
0x4a: {  	_ =	shalt  }
0x4b: {  	_ =	shalt  }
0x4c: {  	_ =	shalt  }
0x4d: {  	_ =	shalt  }
0x4e: {  	_ =	shalt  }
0x4f: {  	_ =	shalt  }
0x50: {  	_ =	shalt  }
0x51: {  	_ =	shalt  }
0x52: {  	_ =	shalt  }
0x53: {  	_ =	shalt  }
0x54: {  	_ =	shalt  }
0x55: {  	_ =	shalt  }
0x56: {  	_ =	shalt  }
0x57: {  	_ =	shalt  }
0x58: {  	_ =	shalt  }
0x59: {  	_ =	shalt  }
0x5a: {  	_ =	shalt  }
0x5b: {  	_ =	shalt  }
0x5c: {  	_ =	shalt  }
0x5d: {  	_ =	shalt  }
0x5e: {  	_ =	shalt  }
0x5f: {  	_ =	shalt  }
0x60: {  	_ =	shalt  }
0x61: {  	_ =	shalt  }
0x62: {  	_ =	shalt  }
0x63: {  	_ =	shalt  }
0x64: {  	_ =	shalt  }
0x65: {  	_ =	shalt  }
0x66: {  	_ =	shalt  }
0x67: {  	_ =	shalt  }
0x68: {  	_ =	shalt  }
0x69: {  	_ =	shalt  }
0x6a: {  	_ =	shalt  }
0x6b: {  	_ =	shalt  }
0x6c: {  	_ =	shalt  }
0x6d: {  	_ =	shalt  }
0x6e: {  	_ =	shalt  }
0x6f: {  	_ =	shalt  }
0x70: {  	_ =	shalt  }
0x71: {  	_ =	shalt  }
0x72: {  	_ =	shalt  }
0x73: {  	_ =	shalt  }
0x74: {  	_ =	shalt  }
0x75: {  	_ =	shalt  }
0x76: {  	_ =	shalt  }
0x77: {  	_ =	shalt  }
0x78: {  	_ =	shalt  }
0x79: {  	_ =	shalt  }
0x7a: {  	_ =	shalt  }
0x7b: {  	_ =	shalt  }
0x7c: {  	_ =	shalt  }
0x7d: {  	_ =	shalt  }
0x7e: {  	_ =	shalt  }
0x7f: {  	_ =	shalt  }
0x80: {  	_ =	shalt  }
0x81: {  	_ =	shalt  }
0x82: {  	_ =	shalt  }
0x83: {  	_ =	shalt  }
0x84: {  	_ =	shalt  }
0x85: {  	_ =	shalt  }
0x86: {  	_ =	shalt  }
0x87: {  	_ =	shalt  }
.Lfunc_end0:
.L_simem_size_0:
called_computation_lowered:
.L_overlay_start_0:
0x88: {  	s2 =	sld [smem:$0x3FD9]  }
0x89: {  	s3 =	sld [smem:$0x3FFE];
	_ =	sdelay $0x1  }
0x8a: {  	s1 =	srdreg.scid  }
0x8b: {  	s0 =	sand.u32 $0x1, s1  }
0x8c: {  	s17 =	sshll.u32 s0, $0xA;
	s2 =	sadd.s32 s3, s2  }
0x8d: {  	s2 =	sadd.s32 s2, s17  }
0x8e: {  	[smem:$0x3FC4] =	sst s2  }
0x8f: {  	_ = 	snop  }
0x90: {  	s2 =	sld [smem:$0x3FC8]  }
0x91: {  	s18 =	sld [smem:$0x3FC7];
	(tm) =	ssettm $0x1  }
0x92: {  	s4 =	sld [smem:$0x3FFB];
	_ =	sdelay $0x3  }
0x93: {  	_ =	strace s4  }
0x94: {  	s4 =	sld [smem:$0x3FFC];
	_ =	sdelay $0x3  }
0x95: {  	_ =	strace s4  }
0x96: {  	s4 =	sld [smem:$0x3FFD];
	_ =	sdelay $0x3  }
0x97: {  	_ =	strace s4  }
0x98: {  	_ =	strace $0x8FFFFFFF  }
0x99: {  	s19 =	sld [smem:$0x3FDB];
	_ =	sdelay $0x1  }
0x9a: {  	s5 =	simm.s32 $_scs_section_size  }
0x9b: {  	s6 =	simm.s32 $_size__tile_overlayer_lowered;
	s7 =	simm.s32 $_tile_overlayer_lowered  }
0x9c: {  	s22 =	simm.s32 $0x1BFF;
	s21 =	sshll.u32 s7, $0x1;
	s4 =	sadd.s32 s5, s19  }
0x9d: {  	s8 =	simm.s32 $0x0;
	s20 =	sshll.u32 s6, $0x1;
	s6 =	sadd.s32 s21, s4  }
0x9e: {  	[timem:s8], [sflag:s22] =	dma.local [hbm:s6], s20  }
0x9f: {  	_ =	swait.ge [sflag:s22], s20  }
0xa0: {  	s5 =	ssub.s32 $0x0, s20;
	[sflag:s22] =	ssyncset.done $0x0  }
0xa1: {  	[sflag:s22] =	ssyncadd.s32 s5;
	_ =	sdelay $0x1  }
0xa2: {  	s23 =	simm.s32 $0x1B8B  }
0xa3: {  	_ =	swait.ge [sflag:s23], $0x1  }
0xa4: {  	[sflag:s23] =	ssyncset.done $0x0  }
0xa5: {  	s25 =	simm.s32 $0x1B8E;
	s24 =	sld [smem:$0x3FFE];
	[sflag:s23] =	ssyncadd.s32 $0xFFFFFFFF  }
0xa6: {  	s26 =	simm.s32 $execute0_lowered;
	[smem:$0x3FD2] =	sst s25  }
0xa7: {  	s6 =	sshll.u32 s26, $0x1;
	_ =	strace $0x80000046;
	[dreg:$0x1] =	wrdreg $0xFFFFFFFF  }
0xa8: {  	s28 =	simm.s32 $_size_execute0_lowered;
	s4 =	sadd.s32 s4, s6;
	[dreg:$0x0] =	wrdreg $0x0  }
0xa9: {  	s6 =	sshll.u32 s28, $0x1;
	[dreg:$0x2] =	wrdreg s4  }
0xaa: {  	[dreg:$0x3] =	wrdreg s6  }
0xab: {  	[dreg:$0x4] =	wrdreg $0xC0  }
0xac: {  	_ =	task [dreg:s8], $0x5FFFF  }
0xad: {  	[dreg:$0x1] =	wrdreg $0xFFFFFFFF  }
0xae: {  	[dreg:$0x0] =	wrdreg $0x60  }
0xaf: {  	[dreg:$0x2] =	wrdreg s24  }
0xb0: {  	[dreg:$0x3] =	wrdreg s18  }
0xb1: {  	[dreg:$0x4] =	wrdreg s2  }
0xb2: {  	[dreg:$0x5] =	wrdreg $0x9  }
0xb3: {  	_ =	task.clear_ibuf [dreg:s8], $0x6FFFF;
	_ =	strace $0x90000046  }
0xb4: {  	s29 =	simm.s32 $0x9;
	_ =	strace $0x80000048  }
0xb5: {  	_ =	swait.ge [sflag:s29], $0x1  }
0xb6: {  	[sflag:s29] =	ssyncadd.s32 $0xFFFFFFFF  }
0xb7: {  	_ =	strace $0x90000048  }
0xb8: {  	_ =	sfence  }
0xb9: {  	s30 =	sld [smem:$0x0];
	_ =	sdelay $0x2  }
0xba: {  	s31 =	sshll.u32 s1, $0xD;
	s1 =	sshrl.u32 s1, $0x2  }
0xbb: {  	s3 =	sand.u32 $0x4000, s31;
	s1 =	sadd.s32 s1, s30  }
0xbc: {  	s0 =	sor.u32 s3, s0;
	s1 =	sshll.u32 s1, $0x11  }
0xbd: {  	s0 =	sor.u32 s1, s0  }
0xbe: {  	s0 =	sadd.s32 $0x8F2B, s0  }
0xbf: {  	[sflag:s0] =	ssyncadd.remote.s32 $0x1  }
0xc0: {  	_ =	sfence.sel $0xFFFF  }
0xc1: {  	[dreg:$0x0] =	wrdreg $0xFFFFFFFF;
	(pc) =	sbr.abs _section_cstart, $3  }
0xc2: {  	[dreg:$0x1] =	wrdreg $0xFFFFFFFF  }
0xc3: {  	_ =	task.clear_ibuf [dreg:s8], $0x2FFFF;
	_ =	strace $0x9FFFFFFF  }
0xc4: {  	(tm) =	ssettm $0x7FFFFFFF  }
0xc5: {  	_ =	shalt  }
tec
execute0_lowered:
.L_overlay_start_1:
0x0: {  	(tag) =	ssettag $0x1  }
0x1: {  	s1 =	srdreg.scid;
	s6 =	rddreg [dreg:$0x0]  }
0x2: {  	s0 =	stileid.u32;
	s8 =	rddreg [dreg:$0x1]  }
0x3: {  	s2 =	rddreg [dreg:$0x2];
	s3 =	simm.s32 $0x0;
	s16 =	simm.s32 $0x5280  }
0x4: {  	s17 =	simm.s32 $0x0;
	s7 =	sand.u32 $0x1, s1;
	s26 =	sshll.u32 s0, $0x1  }
0x5: {  	s1 =	simm.s32 $0x1;
	[smem:$0x7FF] =	sst s3;
	s5 =	sor.u32 s7, s26  }
0x6: {  	p1 =	seq.s32 s7, $0x1;
	s11 =	sshll.u32 s7, $0x11;
	s12 =	sshll.u32 s7, $0xB  }
0x7: {  	s14 =	ssub.s32 $0x2, s7;
	s15 =	sshll.u32 s7, $0x8;
	p0 =	seq.s32 s5, $0x0  }
0x8: {  	s13 =	sshll.u32 s5, $0x4;
	s5 =	sadd.s32 $0x10800, s6;
	p0 =	por !p0, !p1  }
0x9: {  	v4 =	vlaneseq.u32;
	s30 =	sshrl.u32 s14, $0x1;
	s31 =	sadd.s32 $0x100, s15;
	p0 =	por !p0, !p0  }
0xa: {  	v1 =	vmov s15;
	v2 =	vor.u32 s15, v4;
	s15 =	simm.s32 $0x4000;
	s13 =	sadd.s32 s13, s6;
	s1 =	simm.s32 @!p0 $0x0  }
0xb: {  	s14 =	ssub.s32 s14, s30;
	s9 =	ssub.s32 s0, s1;
	s1 =	rddreg [dreg:$0x3]  }
0xc: {  	_ =	strace $0x80000047;
	s4 =	sshrl.u32 s9, $0x3;
	s28 =	sshll.u32 s9, $0x7  }
0xd: {  	v0 =	vmov s9;
	s9 =	sadd.s32 $0x10E00, s13;
	s10 =	sshll.u32 s4, $0x12;
	s4 =	sshll.u32 s4, $0xC  }
0xe: {  	s10 =	sor.u32 s11, s10;
	s11 =	sand.u32 $0x380, s28;
	s4 =	sor.u32 s12, s4  }
0xf: {  	s13 =	simm.s32 $0x4200;
	s10 =	sor.u32 s11, s10;
	s11 =	sor.u32 s11, s4  }
0x10: {  	s12 =	simm.s32 $0x400;
	s10 =	sshrl.u32 s10, $0x3;
	s11 =	sshrl.u32 s11, $0x3  }
0x11: {  	s4 =	simm.s32 $0x1;
	s10 =	sadd.s32 s10, s6;
	s29 =	sadd.s32 s11, s6  }
0x12: {  	v5 =	vimm.f32 $0.0e+00;
	s7 =	sadd.s32 s8, s11;
	s11 =	simm.s32 $0x80;
	s6 =	sadd.s32 $0x800, s10  }
0x13: {  	vm0 =	vmmov $0x1;
	v4 =	vmul.u32 $0x40, v4;
	v3 =	vmov s31;
	s8 =	sadd.s32 $0x10A00, s29;
	s10 =	smax.u32 s14, $0x1;
	s14 =	simm.s32 $0x4280  }
.LBB2_1:
0x14: {  	[tilespmem:s3], [sflag:$0x1] =	stream.strided.gather [hbm4b:s6+s11], $0x4000, s12, s11, $0x38;
	[tilespmem:$0x5300] =	vst v63  }
0x15: {  	_ =	swait.ge [sflag:s4], $0x4000  }
0x16: {  	[sflag:s4] =	ssyncset.done $0x0  }
0x17: {  	[sflag:s4] =	ssyncadd.s32 $0xFFFFC000  }
0x18: {  	[tilespmem:s15], [sflag:$0x1] =	stream.strided.gather [hbm4b:s7+s11], $0x100, s12, s11, $0x38;
	[tilespmem:$0x5300] =	vst v63  }
0x19: {  	_ =	swait.ge [sflag:s4], $0x100  }
0x1a: {  	[sflag:s4] =	ssyncset.done $0x0  }
0x1b: {  	s18 =	simm.s32 $0x4100;
	[sflag:s4] =	ssyncadd.s32 $0xFFFFFF00  }
0x1c: {  	[tilespmem:s18], [sflag:$0x1] =	stream.strided.gather [hbm4b:s8+s11], $0x100, s12, s11, $0x38;
	[tilespmem:$0x5300] =	vst v63  }
0x1d: {  	_ =	swait.ge [sflag:s4], $0x100  }
0x1e: {  	[sflag:s4] =	ssyncset.done $0x0  }
0x1f: {  	[sflag:s4] =	ssyncadd.s32 $0xFFFFFF00  }
0x20: {  	[tilespmem:s13], [sflag:$0x1] =	stream.linear.gather [hbm4b:s2+s3], $0x80, $0x38;
	[tilespmem:$0x5300] =	vst v63  }
0x21: {  	_ =	swait.ge [sflag:s4], $0x80  }
0x22: {  	[sflag:s4] =	ssyncset.done $0x0  }
0x23: {  	[sflag:s4] =	ssyncadd.s32 $0xFFFFFF80  }
0x24: {  	[tilespmem:s14], [sflag:$0x1] =	stream.linear.gather [hbm4b:s5+s3], $0x1000, $0x38;
	[tilespmem:$0x5300] =	vst v63  }
0x25: {  	_ =	swait.ge [sflag:s4], $0x1000  }
0x26: {  	[sflag:s4] =	ssyncset.done $0x0  }
0x27: {  	[sflag:s4] =	ssyncadd.s32 $0xFFFFF000  }
0x28: {  	v6 =	vld [tilespmem:s15+$0x0]  }
0x29: {  	v7 =	vld [tilespmem:s18+$0x0];
	_ =	sdelay $0x1  }
0x2a: {  	v8 =	vmov s3  }
0x2b: {  	v8 =	vshll.u32 v8, $0x6  }
0x2c: {  	s29 =	simm.s32 $0x4010;
	v8 =	vor.u32 v4, v8  }
0x2d: {  	s30 =	simm.s32 $0x4110;
	v9 =	vld [tilespmem:s29+$0x0];
	v7 =	vshll.u32 v7, $0x6;
	v8 =	vadd.s32 v8, v6  }
0x2e: {  	v10 =	vld [tilespmem:s30+$0x0];
	v7 =	vadd.s32 v6, v7  }
0x2f: {  	s20 =	simm.s32 $0x4020;
	s18 =	simm.s32 $0x10  }
0x30: {  	v13 =	vld [tilespmem:s20+$0x0];
	v11 =	vmov s18  }
0x31: {  	v11 =	vshll.u32 v11, $0x6;
	v6 =	vld.idx.msk [tilespmem:v0+s13+$0x0], $0xffff  }
0x32: {  	v11 =	vor.u32 v4, v11;
	v8 =	vld.idx.msk [tilespmem:v8+s3+$0x0], $0xffff  }
0x33: {  	s19 =	simm.s32 $0x4120;
	v12 =	vld.idx.msk [tilespmem:v7+s14+$0x0], $0xffff;
	v7 =	vshll.u32 v10, $0x6;
	v10 =	vadd.s32 v11, v9  }
0x34: {  	v11 =	vld [tilespmem:s19+$0x0];
	v14 =	vadd.s32 v9, v7  }
0x35: {  	s19 =	simm.s32 $0x20  }
0x36: {  	s31 =	simm.s32 $0x4030;
	v7 =	vmov s19  }
0x37: {  	v15 =	vor.u32 s3, v2;
	v9 =	vld [tilespmem:s31+$0x0];
	v7 =	vshll.u32 v7, $0x6  }
0x38: {  	vm1 =	vlt.s32 v15, v6;
	v16 =	vor.u32 v4, v7;
	v7 =	vld.idx.msk [tilespmem:v10+s3+$0x0], $0xffff  }
0x39: {  	s21 =	simm.s32 $0x4130;
	v10 =	vshll.u32 v11, $0x6;
	v15 =	vadd.f32 v8, v12;
	v11 =	vadd.s32 v16, v13;
	v8 =	vld.idx.msk [tilespmem:v14+s14+$0x0], $0xffff  }
0x3a: {  	s20 =	simm.s32 $0x30;
	v12 =	vadd.s32 v13, v10;
	v10 =	vsel vm1, $0x3F800000, v5;
	v13 =	vld [tilespmem:s21+$0x0]  }
0x3b: {  	s22 =	simm.s32 $0x40;
	s23 =	simm.s32 $0x4040;
	v14 =	vmul.f32 v15, v10;
	v15 =	vmov s20;
	v10 =	vimm.f32 $0.0e+00  }
.LBB2_2:
0x3c: {  	v17 =	vor.u32 s18, v2;
	s18 =	smov.u32 s19  }
0x3d: {  	v16 =	vld [tilespmem:s23+$0x0];
	v18 =	vshll.u32 v15, $0x6;
	v10 =	vadd.f32 v14, v10;
	s19 =	smov.u32 s20;
	s20 =	smov.u32 s22;
	p0 =	sne.s32 s22, $0xF0  }
.Ltmp0:
0x3e: {  	v15 =	vmov v7;
	v14 =	vor.u32 v4, v18;
	vm1 =	vlt.s32 v17, v6;
	v7 =	vld.idx.msk [tilespmem:v11+s3+$0x0], $0xffff;
	(pc) =	sbr.rel @p0 .LBB2_2-.Ltmp0, $4  }
0x3f: {  	s21 =	sadd.s32 $0x10, s21;
	v17 =	vshll.u32 v13, $0x6;
	v11 =	vadd.s32 v14, v9;
	v14 =	vadd.f32 v15, v8;
	v8 =	vld.idx.msk [tilespmem:v12+s14+$0x0], $0xffff  }
0x40: {  	s22 =	sadd.s32 $0x10, s22;
	v13 =	vld [tilespmem:s21+$0x0];
	v12 =	vadd.s32 v9, v17;
	v17 =	vsel vm1, $0x3F800000, v5  }
0x41: {  	v14 =	vmul.f32 v14, v17  }
0x42: {  	s23 =	sadd.s32 $0x10, s23;
	v15 =	vmov s20;
	v9 =	vmov v16  }
0x43: {  	v16 =	vadd.s32 $0xFFFFFFFF, v6  }
0x44: {  	v17 =	vsub.s32 v16, v1  }
0x45: {  	vm1 =	vgt.s32 v17, $0x0  }
0x46: {  	v17 =	vnsel vm1, $0x0, v17  }
0x47: {  	v17 =	vmin.u32 v17, $0xFF;
	_ =	sdelay $0x2  }
0x48: {  	v15 =	vshll.u32 v15, $0x6  }
0x49: {  	v15 =	vor.u32 v4, v15  }
0x4a: {  	v13 =	vshll.u32 v13, $0x6;
	v15 =	vadd.s32 v15, v9;
	v17 =	vld.idx.msk [tilespmem:v17+s15+$0x0], $0xffff  }
0x4b: {  	v54 =	vadd.s32 v9, v13;
	_ =	sdelay $0x1  }
0x4c: {  	v11 =	vld.idx.msk [tilespmem:v11+s3+$0x0], $0xffff  }
0x4d: {  	v12 =	vld.idx.msk [tilespmem:v12+s14+$0x0], $0xffff  }
0x4e: {  	v15 =	vld.idx.msk [tilespmem:v15+s3+$0x0], $0xffff;
	v17 =	vshll.u32 v17, $0x6  }
0x4f: {  	v55 =	vor.u32 s18, v2;
	v56 =	vld.idx.msk [tilespmem:v54+s14+$0x0], $0xffff;
	v57 =	vor.u32 $0x3E, v17  }
0x50: {  	v10 =	vadd.f32 v14, v10;
	v7 =	vadd.f32 v7, v8;
	vm1 =	vlt.s32 v55, v6  }
0x51: {  	v58 =	vor.u32 s19, v2;
	v61 =	vor.u32 s20, v2;
	v13 =	vsel vm1, $0x3F800000, v5  }
0x52: {  	vm1 =	vlt.s32 v58, v6;
	v7 =	vmul.f32 v7, v13;
	v11 =	vadd.f32 v11, v12  }
0x53: {  	v59 =	vsel vm1, $0x3F800000, v5;
	vm1 =	vlt.s32 v61, v6  }
0x54: {  	v7 =	vadd.f32 v7, v10;
	v60 =	vmul.f32 v11, v59;
	v6 =	vadd.f32 v15, v56;
	v62 =	vld.idx.msk [tilespmem:v57+s14+$0x0], $0xffff  }
0x55: {  	vm2 =	vlt.s32 v16, v3;
	v63 =	vsel vm1, $0x3F800000, v5  }
0x56: {  	vm1 =	vge.s32 v16, v1;
	v7 =	vadd.f32 v60, v7;
	v6 =	vmul.f32 v6, v63  }
0x57: {  	vm1 =	vmand vm1, vm2  }
0x58: {  	vm1 =	vmand vm1, vm0;
	v6 =	vadd.f32 v6, v7  }
0x59: {  	v7 =	vnsel vm1, $0x0, v62  }
0x5a: {  	s17 =	sadd.s32 $0x1, s17;
	v6 =	vadd.f32 v7, v6  }
0x5b: {  	p0 =	sne.s32 s17, s10  }
.Ltmp1:
0x5c: {  	[tilespmem:$0x5280] =	vst v6;
	(pc) =	sbr.rel @p0 .LBB2_1-.Ltmp1, $4  }
0x5d: {  	[hbm4b:s9+s3] =	stream.linear.scatter [tilespmem:s16], [sflag:$0x1], $0x80, $0x38;
	[tilespmem:$0x5300] =	vst v63  }
0x5e: {  	_ =	swait.ge [sflag:s4], $0x80  }
0x5f: {  	[sflag:s4] =	ssyncset.done $0x0  }
0x60: {  	[sflag:s4] =	ssyncadd.s32 $0xFFFFFF80  }
0x61: {  	_ =	sfence.sel $0x180000  }
0x62: {  	[bflag:$0x0] =	sbarrier.arrive $0xFFFF  }
0x63: {  	p0 =	sne.s32 s0, $0x0;
	_ =	strace $0x90000047  }
0x64: {  	s0 =	sadd.s32 @!p0 $0x100000, s1;
	[bflag:$0x2] =	sbarrier.arrive $0xFFFF  }
0x65: {  	[sflag:s0] =	ssyncadd.tile.s32 @!p0 $0x1;
	_ =	shalt  }
.Lfunc_end2:
_tile_overlayer_lowered:
.L_overlay_start_2:
0x66: {  	(tag) =	ssettag $0x2  }
0x67: {  	s0 =	rddreg [dreg:$0x0];
	s2 =	stileid.u32  }
0x68: {  	s1 =	rddreg [dreg:$0x1];
	p0 =	sne.s32 s2, $0x0  }
0x69: {  	s3 =	rddreg [dreg:$0x2];
	[bflag:$0x3] =	sbarrier.arrive $0xFFFF;
	s2 =	simm.s32 @!p0 $0x1C01  }
0x6a: {  	[timem:s3], [sflag:s2] =	dma.local @!p0 [hbm:s0], s1  }
0x6b: {  	s0 =	simm.s32 @!p0 $0x1  }
0x6c: {  	_ =	swait.ge @!p0 [sflag:s0], s1  }
0x6d: {  	s1 =	ssub.s32 @!p0 $0x0, s1;
	[sflag:s0] =	ssyncset.done @!p0 $0x0  }
0x6e: {  	[sflag:s0] =	ssyncadd.s32 @!p0 s1  }
0x6f: {  	[bflag:$0x3] =	sbarrier.arrive $0xFFFF  }
0x70: {  	_ =	shalt  }

</sc_bundles>
